<compile_context>
chip_gen: v7x
topology: tpu7x:2x2x1
jax: 0.10.2.dev20260603
libtpu: 0.0.44.dev20260713+nightly
codegen_flags: <defaults>
</compile_context>

<pallas_src>
import jax
import jax.numpy as jnp
from jax import lax
from jax.experimental import pallas as pl
from jax.experimental.pallas import tpu as pltpu
from jax.experimental.pallas import tpu_sc as plsc

_N = 10000
_E = 320000
_D = 128
_NC = 2
_NS = 16
_NW = _NC * _NS
_CH = 128
_NCH = 80
_PC = 40
_NPH = _NCH // _PC
_EPW = _NCH * _CH
_EPAD = _NW * _EPW - _E
_NP = 10240
_RPT = _NP // _NS


def _segsum_body(y_hbm, src_hbm, dst_hbm, out_hbm,
                 src_v, dst_v, rows0, rows1, acc_sh,
                 gsem0, gsem1, ssem0, ssem1):
    c = lax.axis_index("c")
    s = lax.axis_index("s")
    w = s * _NC + c
    zrow = jnp.zeros((16,), jnp.float32)

    def _zfill(r, carry):
        for j in range(_D // 16):
            rows0[r, pl.ds(j * 16, 16)] = zrow
        return carry

    lax.fori_loop(0, _CH, _zfill, 0)
    base = s * _RPT

    def _zero(i, carry):
        pltpu.sync_copy(rows0, acc_sh.at[pl.ds(base + i * _CH, _CH)])
        return carry

    lax.fori_loop(0, _RPT // _CH, _zero, 0)
    plsc.subcore_barrier()

    def _pair(t, carry):
        i = t * 2

        @pl.when(i > 0)
        def _():
            pltpu.make_async_copy(rows1, acc_sh.at[dst_v.at[i - 1]], ssem1).wait()

        pltpu.async_copy(y_hbm.at[src_v.at[i + 1]], rows1, gsem1)
        pltpu.make_async_copy(y_hbm.at[src_v.at[i]], rows0, gsem0).wait()
        pltpu.async_copy(rows0, acc_sh.at[dst_v.at[i]], ssem0, add=True)
        pltpu.make_async_copy(rows0, acc_sh.at[dst_v.at[i]], ssem0).wait()

        @pl.when(i + 2 < _PC)
        def _():
            pltpu.async_copy(y_hbm.at[src_v.at[i + 2]], rows0, gsem0)

        pltpu.make_async_copy(y_hbm.at[src_v.at[i + 1]], rows1, gsem1).wait()
        pltpu.async_copy(rows1, acc_sh.at[dst_v.at[i + 1]], ssem1, add=True)
        return carry

    def _phase(p, carry):
        pltpu.sync_copy(src_hbm.at[w, pl.ds(p * _PC, _PC)], src_v)
        pltpu.sync_copy(dst_hbm.at[w, pl.ds(p * _PC, _PC)], dst_v)
        pltpu.async_copy(y_hbm.at[src_v.at[0]], rows0, gsem0)
        lax.fori_loop(0, _PC // 2, _pair, 0)
        pltpu.make_async_copy(rows1, acc_sh.at[dst_v.at[_PC - 1]], ssem1).wait()
        return carry

    lax.fori_loop(0, _NPH, _phase, 0)
    plsc.subcore_barrier()
    pltpu.sync_copy(acc_sh.at[pl.ds(base, _RPT)], out_hbm.at[c, pl.ds(base, _RPT)])


def _segsum(y, src3, dst3):
    mesh = plsc.VectorSubcoreMesh(core_axis_name="c", subcore_axis_name="s")
    f = pl.kernel(
        _segsum_body,
        mesh=mesh,
        out_type=jax.ShapeDtypeStruct((_NC, _NP, _D), jnp.float32),
        scratch_types=[
            pltpu.VMEM((_PC, _CH), jnp.int32),
            pltpu.VMEM((_PC, _CH), jnp.int32),
            pltpu.VMEM((_CH, _D), jnp.float32),
            pltpu.VMEM((_CH, _D), jnp.float32),
            pltpu.VMEM_SHARED((_NP, _D), jnp.float32),
            pltpu.SemaphoreType.DMA,
            pltpu.SemaphoreType.DMA,
            pltpu.SemaphoreType.DMA,
            pltpu.SemaphoreType.DMA,
        ],
    )
    return f(y, src3, dst3)


_BR = 1280
_BRF = 2000


def _mlp_body(p_ref, w0_ref, b0_ref, w1_ref, b1_ref, o_ref):
    agg = p_ref[0] + p_ref[1]
    h = jnp.dot(agg, w0_ref[...], preferred_element_type=jnp.float32) + b0_ref[...]
    h = jnp.maximum(h, 0.0)
    o_ref[...] = jnp.dot(h, w1_ref[...], preferred_element_type=jnp.float32) + b1_ref[...]


def _mlp(p, w0, b0, w1, b1):
    grid = (_NP // _BR,)
    return pl.pallas_call(
        _mlp_body,
        grid=grid,
        in_specs=[
            pl.BlockSpec((_NC, _BR, _D), lambda i: (0, i, 0)),
            pl.BlockSpec((_D, _D), lambda i: (0, 0)),
            pl.BlockSpec((1, _D), lambda i: (0, 0)),
            pl.BlockSpec((_D, _D), lambda i: (0, 0)),
            pl.BlockSpec((1, _D), lambda i: (0, 0)),
        ],
        out_specs=pl.BlockSpec((_BR, _D), lambda i: (i, 0)),
        out_shape=jax.ShapeDtypeStruct((_NP, _D), jnp.float32),
    )(p, w0, b0, w1, b1)


def _final_body(p_ref, x_ref, wf_ref, w0_ref, b0_ref, w1_ref, b1_ref,
                a_ref, bm_ref, c_ref, mb0_ref, wo_ref, mbo_ref, o_ref):
    agg = p_ref[0] + p_ref[1]
    h = jnp.dot(agg, w0_ref[...], preferred_element_type=jnp.float32) + b0_ref[...]
    h = jnp.maximum(h, 0.0)
    y2 = jnp.dot(h, w1_ref[...], preferred_element_type=jnp.float32) + b1_ref[...]
    t = (jnp.dot(y2, a_ref[...], preferred_element_type=jnp.float32)
         + jnp.dot(x_ref[...], bm_ref[...], preferred_element_type=jnp.float32)
         + jnp.dot(wf_ref[...], c_ref[...], preferred_element_type=jnp.float32)
         + mb0_ref[...])
    t = jnp.maximum(t, 0.0)
    o_ref[...] = jnp.dot(t, wo_ref[...], preferred_element_type=jnp.float32) + mbo_ref[...]


def _final(p, x, wf, w0, b0, w1, b1, a, bm, cm, mb0, wo, mbo):
    grid = (_N // _BRF,)
    mat = pl.BlockSpec((_D, _D), lambda i: (0, 0))
    vec = pl.BlockSpec((1, _D), lambda i: (0, 0))
    row = pl.BlockSpec((_BRF, _D), lambda i: (i, 0))
    return pl.pallas_call(
        _final_body,
        grid=grid,
        in_specs=[
            pl.BlockSpec((_NC, _BRF, _D), lambda i: (0, i, 0)),
            row, row, mat, vec, mat, vec, mat, mat, mat, vec, mat, vec,
        ],
        out_specs=row,
        out_shape=jax.ShapeDtypeStruct((_N, _D), jnp.float32),
    )(p, x, wf, w0, b0, w1, b1, a, bm, cm, mb0, wo, mbo)


def kernel(node_attributes, edge_index, X, W,
           g0W0, g0b0, g0W1, g0b1, g1W0, g1b0, g1W1, g1b1,
           mW0, mb0, mWo, mbo):
    dpw = _EPAD // _NW
    dummy_src = (jnp.arange(_NW * dpw, dtype=jnp.int32) % _N).reshape(_NW, dpw)
    dummy_dst = jnp.broadcast_to(_N + jnp.arange(dpw, dtype=jnp.int32),
                                 (_NW, dpw))
    src3 = jnp.concatenate(
        [edge_index[0].reshape(_NW, _E // _NW), dummy_src], axis=1
    ).reshape(_NW, _NCH, _CH)
    dst3 = jnp.concatenate(
        [edge_index[1].reshape(_NW, _E // _NW), dummy_dst], axis=1
    ).reshape(_NW, _NCH, _CH)

    p1 = _segsum(node_attributes, src3, dst3)
    y1 = _mlp(p1, g0W0, g0b0.reshape(1, _D), g0W1, g0b1.reshape(1, _D))
    p2 = _segsum(y1, src3, dst3)

    a = mW0[:_D]
    bm = mW0[_D:2 * _D]
    cm = jnp.zeros((_D, _D), jnp.float32).at[:7].set(mW0[2 * _D:])
    wf = jnp.pad(W, ((0, 0), (0, _D - 7)))
    wo = jnp.zeros((_D, _D), jnp.float32).at[:, :4].set(mWo)
    mbo_p = jnp.zeros((1, _D), jnp.float32).at[0, :4].set(mbo)
    out = _final(p2, X, wf, g1W0, g1b0.reshape(1, _D), g1W1, g1b1.reshape(1, _D),
                 a, bm, cm, mb0.reshape(1, _D), wo, mbo_p)
    return out[:, :4]

# --- scband reference (transcript-rebuilt; emitter-appended) ---
"""Pipeline reference for scband-gnn-82557861364276 (READ-ONLY COPY).

The authoritative reference and input builder live on the scoring server;
editing this copy changes nothing except your own understanding.
"""

import jax, jax.numpy as jnp
import numpy as np

N = 10000
E = 320000
D_ATTR = 128
D_U = 128
D_BETWEEN = 128
D_N2V = 128
D_CW = 7
D_MLP = 128
D_OUT = 4
N_PASS = 1


def _glorot(key, shape):
    fan_in = shape[0]
    return (jax.random.normal(key, shape, jnp.float32) / np.sqrt(fan_in)).astype(jnp.float32)


def setup_inputs(seed: int = 0):
    key = jax.random.key(seed)
    ks = jax.random.split(key, 16)
    inp = {}
    inp["node_attributes"] = jax.random.normal(ks[0], (N, D_ATTR), jnp.float32)
    inp["edge_index"] = jax.random.randint(ks[1], (2, E), 0, N, dtype=jnp.int32)
    inp["X"] = jax.random.normal(ks[2], (N, D_N2V), jnp.float32)
    inp["W"] = jax.random.normal(ks[3], (N, D_CW), jnp.float32)
    inp["g0W0"] = _glorot(ks[4], (D_ATTR, D_U))
    inp["g0b0"] = jnp.zeros((D_U,), jnp.float32)
    inp["g0W1"] = _glorot(ks[5], (D_U, D_BETWEEN))
    inp["g0b1"] = jnp.zeros((D_BETWEEN,), jnp.float32)
    inp["g1W0"] = _glorot(ks[6], (D_BETWEEN, D_U))
    inp["g1b0"] = jnp.zeros((D_U,), jnp.float32)
    inp["g1W1"] = _glorot(ks[7], (D_U, D_BETWEEN))
    inp["g1b1"] = jnp.zeros((D_BETWEEN,), jnp.float32)
    inp["mW0"] = _glorot(ks[8], (D_BETWEEN + D_N2V + D_CW, D_MLP))
    inp["mb0"] = jnp.zeros((D_MLP,), jnp.float32)
    inp["mWo"] = _glorot(ks[9], (D_MLP, D_OUT))
    inp["mbo"] = jnp.zeros((D_OUT,), jnp.float32)
    return inp


def reference(node_attributes, edge_index, X, W, g0W0, g0b0, g0W1, g0b1, g1W0, g1b0, g1W1, g1b1, mW0, mb0, mWo, mbo):
    src = edge_index[0]
    dst = edge_index[1]
    y = node_attributes
    # GNN_input + GNN_hidden layers: n_pass message passes each, followed by
    # the layer-local update MLP U (n_U_layers=2 linear layers, ReLU between).
    for (W0, b0, W1, b1) in [(g0W0, g0b0, g0W1, g0b1), (g1W0, g1b0, g1W1, g1b1)]:
        for _ in range(N_PASS):
            msgs = jnp.take(y, src, axis=0)
            agg = jax.ops.segment_sum(msgs, dst, num_segments=N)
            h = jnp.maximum(agg @ W0 + b0, 0.0)
            y = h @ W1 + b1
    # concat with node2vec embedding X and closed-walk features W
    y = jnp.concatenate([y, X, W], axis=-1)
    # node-level MLP: one hidden layer + output layer
    y = jnp.maximum(y @ mW0 + mb0, 0.0)
    return y @ mWo + mbo

if __name__ == "__main__":
    import jax
    _d = setup_inputs()
    print(jax.jit(kernel)(*tuple(_d.values())))

</pallas_src>

<mosaic_0001>
#map = affine_map<(d0, d1) -> (0, 0)>
#map1 = affine_map<(d0, d1) -> (0, 0, 0)>
module attributes {stable_mosaic.version = 14 : i64} {
  func.func @_segsum_body(%arg0: i32, %arg1: i32, %arg2: memref<10240x128xf32, #tpu.memory_space<hbm>>, %arg3: memref<32x80x128xi32, #tpu.memory_space<hbm>>, %arg4: memref<32x80x128xi32, #tpu.memory_space<hbm>>, %arg5: memref<2x10240x128xf32, #tpu.memory_space<hbm>>, %arg6: memref<40x128xi32, #tpu.memory_space<vmem>>, %arg7: memref<40x128xi32, #tpu.memory_space<vmem>>, %arg8: memref<128x128xf32, #tpu.memory_space<vmem>>, %arg9: memref<128x128xf32, #tpu.memory_space<vmem>>, %arg10: memref<10240x128xf32, #tpu.memory_space<vmem_shared>>, %arg11: memref<!tpu.dma_semaphore, #tpu.memory_space<semaphore_mem>>, %arg12: memref<!tpu.dma_semaphore, #tpu.memory_space<semaphore_mem>>, %arg13: memref<!tpu.dma_semaphore, #tpu.memory_space<semaphore_mem>>, %arg14: memref<!tpu.dma_semaphore, #tpu.memory_space<semaphore_mem>>) attributes {dimension_semantics = [#tpu.dimension_semantics<core_parallel>, #tpu.dimension_semantics<subcore_parallel>], iteration_bounds = array<i64: 2, 16>, scalar_prefetch = 0 : i64, scratch_operands = 9 : i64, tpu.core_type = #tpu.core_type<sc_vector_subcore>, window_params = [{transform_indices = #map}, {transform_indices = #map1}, {transform_indices = #map1}, {transform_indices = #map1}]} {
    %mul3A = arith.constant 2 : i32
    %mul3A_0 = arith.muli %arg1, %mul3A : i32
    %add3A = arith.addi %mul3A_0, %arg0 : i32
    %broadcast_in_dim3A = arith.constant 0.000000e+00 : f32
    %broadcast_in_dim3A_1 = vector.broadcast %broadcast_in_dim3A : f32 to vector<16xf32>
    %scan3A = arith.constant 0 : i32
    %scan3A_2 = arith.constant 0 : i32
    %scan3A_3 = arith.constant 128 : i32
    %scan3A_4 = arith.addi %scan3A_2, %scan3A_3 : i32
    %scan3A_5 = arith.constant 1 : i32
    scf.for %scan3A_22 = %scan3A_2 to %scan3A_4 step %scan3A_5  : i32 {
      %swap3A = arith.index_cast %scan3A_22 : i32 to index
      %swap3A_23 = arith.constant 0 : index
      %swap3A_24 = tpu.vector_load %arg8[%swap3A, %swap3A_23] {strides = array<i32>} : memref<128x128xf32, #tpu.memory_space<vmem>>, vector<1x16xf32>,
      %swap3A_25 = vector.shape_cast %swap3A_24 : vector<1x16xf32> to vector<16xf32>
      %swap3A_26 = vector.shape_cast %broadcast_in_dim3A_1 : vector<16xf32> to vector<1x16xf32>
      tpu.vector_store %arg8[%swap3A, %swap3A_23], %swap3A_26 {strides = array<i32>} : memref<128x128xf32, #tpu.memory_space<vmem>>, vector<1x16xf32>,
      %swap3A_27 = arith.index_cast %scan3A_22 : i32 to index
      %swap3A_28 = arith.constant 16 : index
      %swap3A_29 = tpu.vector_load %arg8[%swap3A_27, %swap3A_28] {strides = array<i32>} : memref<128x128xf32, #tpu.memory_space<vmem>>, vector<1x16xf32>,
      %swap3A_30 = vector.shape_cast %swap3A_29 : vector<1x16xf32> to vector<16xf32>
      %swap3A_31 = vector.shape_cast %broadcast_in_dim3A_1 : vector<16xf32> to vector<1x16xf32>
      tpu.vector_store %arg8[%swap3A_27, %swap3A_28], %swap3A_31 {strides = array<i32>} : memref<128x128xf32, #tpu.memory_space<vmem>>, vector<1x16xf32>,
      %swap3A_32 = arith.index_cast %scan3A_22 : i32 to index
      %swap3A_33 = arith.constant 32 : index
      %swap3A_34 = tpu.vector_load %arg8[%swap3A_32, %swap3A_33] {strides = array<i32>} : memref<128x128xf32, #tpu.memory_space<vmem>>, vector<1x16xf32>,
      %swap3A_35 = vector.shape_cast %swap3A_34 : vector<1x16xf32> to vector<16xf32>
      %swap3A_36 = vector.shape_cast %broadcast_in_dim3A_1 : vector<16xf32> to vector<1x16xf32>
      tpu.vector_store %arg8[%swap3A_32, %swap3A_33], %swap3A_36 {strides = array<i32>} : memref<128x128xf32, #tpu.memory_space<vmem>>, vector<1x16xf32>,
      %swap3A_37 = arith.index_cast %scan3A_22 : i32 to index
      %swap3A_38 = arith.constant 48 : index
      %swap3A_39 = tpu.vector_load %arg8[%swap3A_37, %swap3A_38] {strides = array<i32>} : memref<128x128xf32, #tpu.memory_space<vmem>>, vector<1x16xf32>,
      %swap3A_40 = vector.shape_cast %swap3A_39 : vector<1x16xf32> to vector<16xf32>
      %swap3A_41 = vector.shape_cast %broadcast_in_dim3A_1 : vector<16xf32> to vector<1x16xf32>
      tpu.vector_store %arg8[%swap3A_37, %swap3A_38], %swap3A_41 {strides = array<i32>} : memref<128x128xf32, #tpu.memory_space<vmem>>, vector<1x16xf32>,
      %swap3A_42 = arith.index_cast %scan3A_22 : i32 to index
      %swap3A_43 = arith.constant 64 : index
      %swap3A_44 = tpu.vector_load %arg8[%swap3A_42, %swap3A_43] {strides = array<i32>} : memref<128x128xf32, #tpu.memory_space<vmem>>, vector<1x16xf32>,
      %swap3A_45 = vector.shape_cast %swap3A_44 : vector<1x16xf32> to vector<16xf32>
      %swap3A_46 = vector.shape_cast %broadcast_in_dim3A_1 : vector<16xf32> to vector<1x16xf32>
      tpu.vector_store %arg8[%swap3A_42, %swap3A_43], %swap3A_46 {strides = array<i32>} : memref<128x128xf32, #tpu.memory_space<vmem>>, vector<1x16xf32>,
      %swap3A_47 = arith.index_cast %scan3A_22 : i32 to index
      %swap3A_48 = arith.constant 80 : index
      %swap3A_49 = tpu.vector_load %arg8[%swap3A_47, %swap3A_48] {strides = array<i32>} : memref<128x128xf32, #tpu.memory_space<vmem>>, vector<1x16xf32>,
      %swap3A_50 = vector.shape_cast %swap3A_49 : vector<1x16xf32> to vector<16xf32>
      %swap3A_51 = vector.shape_cast %broadcast_in_dim3A_1 : vector<16xf32> to vector<1x16xf32>
      tpu.vector_store %arg8[%swap3A_47, %swap3A_48], %swap3A_51 {strides = array<i32>} : memref<128x128xf32, #tpu.memory_space<vmem>>, vector<1x16xf32>,
      %swap3A_52 = arith.index_cast %scan3A_22 : i32 to index
      %swap3A_53 = arith.constant 96 : index
      %swap3A_54 = tpu.vector_load %arg8[%swap3A_52, %swap3A_53] {strides = array<i32>} : memref<128x128xf32, #tpu.memory_space<vmem>>, vector<1x16xf32>,
      %swap3A_55 = vector.shape_cast %swap3A_54 : vector<1x16xf32> to vector<16xf32>
      %swap3A_56 = vector.shape_cast %broadcast_in_dim3A_1 : vector<16xf32> to vector<1x16xf32>
      tpu.vector_store %arg8[%swap3A_52, %swap3A_53], %swap3A_56 {strides = array<i32>} : memref<128x128xf32, #tpu.memory_space<vmem>>, vector<1x16xf32>,
      %swap3A_57 = arith.index_cast %scan3A_22 : i32 to index
      %swap3A_58 = arith.constant 112 : index
      %swap3A_59 = tpu.vector_load %arg8[%swap3A_57, %swap3A_58] {strides = array<i32>} : memref<128x128xf32, #tpu.memory_space<vmem>>, vector<1x16xf32>,
      %swap3A_60 = vector.shape_cast %swap3A_59 : vector<1x16xf32> to vector<16xf32>
      %swap3A_61 = vector.shape_cast %broadcast_in_dim3A_1 : vector<16xf32> to vector<1x16xf32>
      tpu.vector_store %arg8[%swap3A_57, %swap3A_58], %swap3A_61 {strides = array<i32>} : memref<128x128xf32, #tpu.memory_space<vmem>>, vector<1x16xf32>,
    }
    %scan3A_6 = arith.constant 128 : i32
    %mul3A_7 = arith.constant 640 : i32
    %mul3A_8 = arith.muli %arg1, %mul3A_7 : i32
    %scan3A_9 = arith.constant 0 : i32
    %scan3A_10 = arith.constant 0 : i32
    %scan3A_11 = arith.constant 5 : i32
    %scan3A_12 = arith.addi %scan3A_10, %scan3A_11 : i32
    %scan3A_13 = arith.constant 1 : i32
    scf.for %scan3A_22 = %scan3A_10 to %scan3A_12 step %scan3A_13  : i32 {
      %mul3A_23 = arith.constant 128 : i32
      %mul3A_24 = arith.muli %scan3A_22, %mul3A_23 : i32
      %add3A_25 = arith.addi %mul3A_8, %mul3A_24 : i32
      "tpu.region"() ({
        %run_scoped3A = tpu.sem_alloc : memref<!tpu.dma_semaphore, #tpu.memory_space<semaphore_mem>>
        %dma_start3A = arith.constant 0 : i32
        %dma_start3A_26 = tpu.memref_slice %arg10[%add3A_25, %dma_start3A] : memref<10240x128xf32, #tpu.memory_space<vmem_shared>> -> memref<128x128xf32, #tpu.memory_space<vmem_shared>>
        %dma_start3A_27 = arith.constant 0 : i32
        %dma_start3A_28 = tpu.memref_slice %arg10[%add3A_25, %dma_start3A_27] : memref<10240x128xf32, #tpu.memory_space<vmem_shared>> -> memref<128x128xf32, #tpu.memory_space<vmem_shared>>
        tpu.enqueue_dma source(%arg8 : memref<128x128xf32, #tpu.memory_space<vmem>>) target(%dma_start3A_28 : memref<128x128xf32, #tpu.memory_space<vmem_shared>>) target_semaphore(%run_scoped3A : memref<!tpu.dma_semaphore, #tpu.memory_space<semaphore_mem>>)
        %dma_wait3A = arith.constant 0 : i32
        %dma_wait3A_29 = tpu.memref_slice %arg10[%add3A_25, %dma_wait3A] : memref<10240x128xf32, #tpu.memory_space<vmem_shared>> -> memref<128x128xf32, #tpu.memory_space<vmem_shared>>
        %dma_wait3A_30 = arith.constant 0 : i32
        %dma_wait3A_31 = tpu.memref_slice %arg10[%add3A_25, %dma_wait3A_30] : memref<10240x128xf32, #tpu.memory_space<vmem_shared>> -> memref<128x128xf32, #tpu.memory_space<vmem_shared>>
        tpu.wait_dma2 semaphore(%run_scoped3A : memref<!tpu.dma_semaphore, #tpu.memory_space<semaphore_mem>>) src(%arg8 : memref<128x128xf32, #tpu.memory_space<vmem>>) dst(%dma_wait3A_31 : memref<128x128xf32, #tpu.memory_space<vmem_shared>>)
        tpu.yield
      }) : () -> ()
    }
    %scan3A_14 = arith.constant 5 : i32
    %barrier3A = arith.constant 0 : index
    tpu.barrier barrier_id(%barrier3A)
    %scan3A_15 = arith.constant 0 : i32
    %scan3A_16 = arith.constant 0 : i32
    %scan3A_17 = arith.constant 2 : i32
    %scan3A_18 = arith.addi %scan3A_16, %scan3A_17 : i32
    %scan3A_19 = arith.constant 1 : i32
    scf.for %scan3A_22 = %scan3A_16 to %scan3A_18 step %scan3A_19  : i32 {
      %mul3A_23 = arith.constant 40 : i32
      %mul3A_24 = arith.muli %scan3A_22, %mul3A_23 : i32
      "tpu.region"() ({
        %run_scoped3A = tpu.sem_alloc : memref<!tpu.dma_semaphore, #tpu.memory_space<semaphore_mem>>
        %dma_start3A_45 = arith.constant 0 : i32
        %dma_start3A_46 = tpu.memref_slice %arg3[%add3A, %mul3A_24, %dma_start3A_45] : memref<32x80x128xi32, #tpu.memory_space<hbm>> -> memref<1x40x128xi32, #tpu.memory_space<hbm>>
        %dma_start3A_47 = tpu.memref_squeeze %dma_start3A_46 : memref<1x40x128xi32, #tpu.memory_space<hbm>> -> memref<40x128xi32, #tpu.memory_space<hbm>>
        %dma_start3A_48 = arith.constant 0 : i32
        %dma_start3A_49 = tpu.memref_slice %arg3[%add3A, %mul3A_24, %dma_start3A_48] : memref<32x80x128xi32, #tpu.memory_space<hbm>> -> memref<1x40x128xi32, #tpu.memory_space<hbm>>
        %dma_start3A_50 = tpu.memref_squeeze %dma_start3A_49 : memref<1x40x128xi32, #tpu.memory_space<hbm>> -> memref<40x128xi32, #tpu.memory_space<hbm>>
        tpu.enqueue_dma source(%dma_start3A_50 : memref<40x128xi32, #tpu.memory_space<hbm>>) target(%arg6 : memref<40x128xi32, #tpu.memory_space<vmem>>) target_semaphore(%run_scoped3A : memref<!tpu.dma_semaphore, #tpu.memory_space<semaphore_mem>>)
        %dma_wait3A_51 = arith.constant 0 : i32
        %dma_wait3A_52 = tpu.memref_slice %arg3[%add3A, %mul3A_24, %dma_wait3A_51] : memref<32x80x128xi32, #tpu.memory_space<hbm>> -> memref<1x40x128xi32, #tpu.memory_space<hbm>>
        %dma_wait3A_53 = tpu.memref_squeeze %dma_wait3A_52 : memref<1x40x128xi32, #tpu.memory_space<hbm>> -> memref<40x128xi32, #tpu.memory_space<hbm>>
        %dma_wait3A_54 = arith.constant 0 : i32
        %dma_wait3A_55 = tpu.memref_slice %arg3[%add3A, %mul3A_24, %dma_wait3A_54] : memref<32x80x128xi32, #tpu.memory_space<hbm>> -> memref<1x40x128xi32, #tpu.memory_space<hbm>>
        %dma_wait3A_56 = tpu.memref_squeeze %dma_wait3A_55 : memref<1x40x128xi32, #tpu.memory_space<hbm>> -> memref<40x128xi32, #tpu.memory_space<hbm>>
        tpu.wait_dma2 semaphore(%run_scoped3A : memref<!tpu.dma_semaphore, #tpu.memory_space<semaphore_mem>>) src(%dma_wait3A_56 : memref<40x128xi32, #tpu.memory_space<hbm>>) dst(%arg6 : memref<40x128xi32, #tpu.memory_space<vmem>>)
        tpu.yield
      }) : () -> ()
      %mul3A_25 = arith.constant 40 : i32
      %mul3A_26 = arith.muli %scan3A_22, %mul3A_25 : i32
      "tpu.region"() ({
        %run_scoped3A = tpu.sem_alloc : memref<!tpu.dma_semaphore, #tpu.memory_space<semaphore_mem>>
        %dma_start3A_45 = arith.constant 0 : i32
        %dma_start3A_46 = tpu.memref_slice %arg4[%add3A, %mul3A_26, %dma_start3A_45] : memref<32x80x128xi32, #tpu.memory_space<hbm>> -> memref<1x40x128xi32, #tpu.memory_space<hbm>>
        %dma_start3A_47 = tpu.memref_squeeze %dma_start3A_46 : memref<1x40x128xi32, #tpu.memory_space<hbm>> -> memref<40x128xi32, #tpu.memory_space<hbm>>
        %dma_start3A_48 = arith.constant 0 : i32
        %dma_start3A_49 = tpu.memref_slice %arg4[%add3A, %mul3A_26, %dma_start3A_48] : memref<32x80x128xi32, #tpu.memory_space<hbm>> -> memref<1x40x128xi32, #tpu.memory_space<hbm>>
        %dma_start3A_50 = tpu.memref_squeeze %dma_start3A_49 : memref<1x40x128xi32, #tpu.memory_space<hbm>> -> memref<40x128xi32, #tpu.memory_space<hbm>>
        tpu.enqueue_dma source(%dma_start3A_50 : memref<40x128xi32, #tpu.memory_space<hbm>>) target(%arg7 : memref<40x128xi32, #tpu.memory_space<vmem>>) target_semaphore(%run_scoped3A : memref<!tpu.dma_semaphore, #tpu.memory_space<semaphore_mem>>)
        %dma_wait3A_51 = arith.constant 0 : i32
        %dma_wait3A_52 = tpu.memref_slice %arg4[%add3A, %mul3A_26, %dma_wait3A_51] : memref<32x80x128xi32, #tpu.memory_space<hbm>> -> memref<1x40x128xi32, #tpu.memory_space<hbm>>
        %dma_wait3A_53 = tpu.memref_squeeze %dma_wait3A_52 : memref<1x40x128xi32, #tpu.memory_space<hbm>> -> memref<40x128xi32, #tpu.memory_space<hbm>>
        %dma_wait3A_54 = arith.constant 0 : i32
        %dma_wait3A_55 = tpu.memref_slice %arg4[%add3A, %mul3A_26, %dma_wait3A_54] : memref<32x80x128xi32, #tpu.memory_space<hbm>> -> memref<1x40x128xi32, #tpu.memory_space<hbm>>
        %dma_wait3A_56 = tpu.memref_squeeze %dma_wait3A_55 : memref<1x40x128xi32, #tpu.memory_space<hbm>> -> memref<40x128xi32, #tpu.memory_space<hbm>>
        tpu.wait_dma2 semaphore(%run_scoped3A : memref<!tpu.dma_semaphore, #tpu.memory_space<semaphore_mem>>) src(%dma_wait3A_56 : memref<40x128xi32, #tpu.memory_space<hbm>>) dst(%arg7 : memref<40x128xi32, #tpu.memory_space<vmem>>)
        tpu.yield
      }) : () -> ()
      %dma_start3A = arith.constant 0 : i32
      %dma_start3A_27 = arith.constant 0 : i32
      %dma_start3A_28 = tpu.memref_slice %arg6[%dma_start3A, %dma_start3A_27] : memref<40x128xi32, #tpu.memory_space<vmem>> -> memref<1x128xi32, #tpu.memory_space<vmem>>
      %dma_start3A_29 = tpu.memref_squeeze %dma_start3A_28 : memref<1x128xi32, #tpu.memory_space<vmem>> -> memref<128xi32, #tpu.memory_space<vmem>>
      %dma_start3A_30 = arith.constant 0 : i32
      %dma_start3A_31 = arith.constant 0 : i32
      %dma_start3A_32 = tpu.memref_slice %arg2[%dma_start3A_30, %dma_start3A_31] : memref<10240x128xf32, #tpu.memory_space<hbm>> -> memref<10240x128xf32, #tpu.memory_space<hbm>>
      tpu.enqueue_indirect_dma source(%dma_start3A_32 : memref<10240x128xf32, #tpu.memory_space<hbm>>) target(%arg8 : memref<128x128xf32, #tpu.memory_space<vmem>>) offsets(%dma_start3A_29 : memref<128xi32, #tpu.memory_space<vmem>>) semaphore(%arg11 : memref<!tpu.dma_semaphore, #tpu.memory_space<semaphore_mem>>)
      %scan3A_33 = arith.constant 0 : i32
      %scan3A_34 = arith.constant 0 : i32
      %scan3A_35 = arith.constant 20 : i32
      %scan3A_36 = arith.addi %scan3A_34, %scan3A_35 : i32
      %scan3A_37 = arith.constant 1 : i32
      scf.for %scan3A_45 = %scan3A_34 to %scan3A_36 step %scan3A_37  : i32 {
        %mul3A_46 = arith.constant 2 : i32
        %mul3A_47 = arith.muli %scan3A_45, %mul3A_46 : i32
        %gt3A = arith.constant 0 : i32
        %gt3A_48 = arith.cmpi sgt, %mul3A_47, %gt3A : i32
        %convert_element_type3A = arith.extui %gt3A_48 : i1 to i32
        %cond3A = arith.constant 0 : i32
        %cond3A_49 = arith.cmpi ne, %convert_element_type3A, %cond3A : i32
        scf.if %cond3A_49 {
          %sub3A = arith.constant 1 : i32
          %sub3A_98 = arith.subi %mul3A_47, %sub3A : i32
          %dma_wait3A_99 = arith.constant 0 : i32
          %dma_wait3A_100 = tpu.memref_slice %arg7[%sub3A_98, %dma_wait3A_99] : memref<40x128xi32, #tpu.memory_space<vmem>> -> memref<1x128xi32, #tpu.memory_space<vmem>>
          %dma_wait3A_101 = tpu.memref_squeeze %dma_wait3A_100 : memref<1x128xi32, #tpu.memory_space<vmem>> -> memref<128xi32, #tpu.memory_space<vmem>>
          %dma_wait3A_102 = arith.constant 0 : i32
          %dma_wait3A_103 = arith.constant 0 : i32
          %dma_wait3A_104 = tpu.memref_slice %arg10[%dma_wait3A_102, %dma_wait3A_103] : memref<10240x128xf32, #tpu.memory_space<vmem_shared>> -> memref<10240x128xf32, #tpu.memory_space<vmem_shared>>
          tpu.wait_indirect_dma semaphore(%arg14 : memref<!tpu.dma_semaphore, #tpu.memory_space<semaphore_mem>>) src(%arg9 : memref<128x128xf32, #tpu.memory_space<vmem>>) dst(%dma_wait3A_104 : memref<10240x128xf32, #tpu.memory_space<vmem_shared>>)
        } else {
        }
        %add3A_50 = arith.constant 1 : i32
        %add3A_51 = arith.addi %mul3A_47, %add3A_50 : i32
        %dma_start3A_52 = arith.constant 0 : i32
        %dma_start3A_53 = tpu.memref_slice %arg6[%add3A_51, %dma_start3A_52] : memref<40x128xi32, #tpu.memory_space<vmem>> -> memref<1x128xi32, #tpu.memory_space<vmem>>
        %dma_start3A_54 = tpu.memref_squeeze %dma_start3A_53 : memref<1x128xi32, #tpu.memory_space<vmem>> -> memref<128xi32, #tpu.memory_space<vmem>>
        %dma_start3A_55 = arith.constant 0 : i32
        %dma_start3A_56 = arith.constant 0 : i32
        %dma_start3A_57 = tpu.memref_slice %arg2[%dma_start3A_55, %dma_start3A_56] : memref<10240x128xf32, #tpu.memory_space<hbm>> -> memref<10240x128xf32, #tpu.memory_space<hbm>>
        tpu.enqueue_indirect_dma source(%dma_start3A_57 : memref<10240x128xf32, #tpu.memory_space<hbm>>) target(%arg9 : memref<128x128xf32, #tpu.memory_space<vmem>>) offsets(%dma_start3A_54 : memref<128xi32, #tpu.memory_space<vmem>>) semaphore(%arg12 : memref<!tpu.dma_semaphore, #tpu.memory_space<semaphore_mem>>)
        %dma_wait3A_58 = arith.constant 0 : i32
        %dma_wait3A_59 = tpu.memref_slice %arg6[%mul3A_47, %dma_wait3A_58] : memref<40x128xi32, #tpu.memory_space<vmem>> -> memref<1x128xi32, #tpu.memory_space<vmem>>
        %dma_wait3A_60 = tpu.memref_squeeze %dma_wait3A_59 : memref<1x128xi32, #tpu.memory_space<vmem>> -> memref<128xi32, #tpu.memory_space<vmem>>
        %dma_wait3A_61 = arith.constant 0 : i32
        %dma_wait3A_62 = arith.constant 0 : i32
        %dma_wait3A_63 = tpu.memref_slice %arg2[%dma_wait3A_61, %dma_wait3A_62] : memref<10240x128xf32, #tpu.memory_space<hbm>> -> memref<10240x128xf32, #tpu.memory_space<hbm>>
        tpu.wait_indirect_dma semaphore(%arg11 : memref<!tpu.dma_semaphore, #tpu.memory_space<semaphore_mem>>) src(%dma_wait3A_63 : memref<10240x128xf32, #tpu.memory_space<hbm>>) dst(%arg8 : memref<128x128xf32, #tpu.memory_space<vmem>>)
        %dma_start3A_64 = arith.constant 0 : i32
        %dma_start3A_65 = tpu.memref_slice %arg7[%mul3A_47, %dma_start3A_64] : memref<40x128xi32, #tpu.memory_space<vmem>> -> memref<1x128xi32, #tpu.memory_space<vmem>>
        %dma_start3A_66 = tpu.memref_squeeze %dma_start3A_65 : memref<1x128xi32, #tpu.memory_space<vmem>> -> memref<128xi32, #tpu.memory_space<vmem>>
        %dma_start3A_67 = arith.constant 0 : i32
        %dma_start3A_68 = arith.constant 0 : i32
        %dma_start3A_69 = tpu.memref_slice %arg10[%dma_start3A_67, %dma_start3A_68] : memref<10240x128xf32, #tpu.memory_space<vmem_shared>> -> memref<10240x128xf32, #tpu.memory_space<vmem_shared>>
        tpu.enqueue_indirect_dma source(%arg8 : memref<128x128xf32, #tpu.memory_space<vmem>>) target(%dma_start3A_69 : memref<10240x128xf32, #tpu.memory_space<vmem_shared>>) offsets(%dma_start3A_66 : memref<128xi32, #tpu.memory_space<vmem>>) semaphore(%arg13 : memref<!tpu.dma_semaphore, #tpu.memory_space<semaphore_mem>>) {add = true}
        %dma_wait3A_70 = arith.constant 0 : i32
        %dma_wait3A_71 = tpu.memref_slice %arg7[%mul3A_47, %dma_wait3A_70] : memref<40x128xi32, #tpu.memory_space<vmem>> -> memref<1x128xi32, #tpu.memory_space<vmem>>
        %dma_wait3A_72 = tpu.memref_squeeze %dma_wait3A_71 : memref<1x128xi32, #tpu.memory_space<vmem>> -> memref<128xi32, #tpu.memory_space<vmem>>
        %dma_wait3A_73 = arith.constant 0 : i32
        %dma_wait3A_74 = arith.constant 0 : i32
        %dma_wait3A_75 = tpu.memref_slice %arg10[%dma_wait3A_73, %dma_wait3A_74] : memref<10240x128xf32, #tpu.memory_space<vmem_shared>> -> memref<10240x128xf32, #tpu.memory_space<vmem_shared>>
        tpu.wait_indirect_dma semaphore(%arg13 : memref<!tpu.dma_semaphore, #tpu.memory_space<semaphore_mem>>) src(%arg8 : memref<128x128xf32, #tpu.memory_space<vmem>>) dst(%dma_wait3A_75 : memref<10240x128xf32, #tpu.memory_space<vmem_shared>>)
        %add3A_76 = arith.constant 2 : i32
        %add3A_77 = arith.addi %mul3A_47, %add3A_76 : i32
        %lt3A = arith.constant 40 : i32
        %lt3A_78 = arith.cmpi slt, %add3A_77, %lt3A : i32
        %convert_element_type3A_79 = arith.extui %lt3A_78 : i1 to i32
        %cond3A_80 = arith.constant 0 : i32
        %cond3A_81 = arith.cmpi ne, %convert_element_type3A_79, %cond3A_80 : i32
        scf.if %cond3A_81 {
          %add3A_98 = arith.constant 2 : i32
          %add3A_99 = arith.addi %mul3A_47, %add3A_98 : i32
          %dma_start3A_100 = arith.constant 0 : i32
          %dma_start3A_101 = tpu.memref_slice %arg6[%add3A_99, %dma_start3A_100] : memref<40x128xi32, #tpu.memory_space<vmem>> -> memref<1x128xi32, #tpu.memory_space<vmem>>
          %dma_start3A_102 = tpu.memref_squeeze %dma_start3A_101 : memref<1x128xi32, #tpu.memory_space<vmem>> -> memref<128xi32, #tpu.memory_space<vmem>>
          %dma_start3A_103 = arith.constant 0 : i32
          %dma_start3A_104 = arith.constant 0 : i32
          %dma_start3A_105 = tpu.memref_slice %arg2[%dma_start3A_103, %dma_start3A_104] : memref<10240x128xf32, #tpu.memory_space<hbm>> -> memref<10240x128xf32, #tpu.memory_space<hbm>>
          tpu.enqueue_indirect_dma source(%dma_start3A_105 : memref<10240x128xf32, #tpu.memory_space<hbm>>) target(%arg8 : memref<128x128xf32, #tpu.memory_space<vmem>>) offsets(%dma_start3A_102 : memref<128xi32, #tpu.memory_space<vmem>>) semaphore(%arg11 : memref<!tpu.dma_semaphore, #tpu.memory_space<semaphore_mem>>)
        } else {
        }
        %add3A_82 = arith.constant 1 : i32
        %add3A_83 = arith.addi %mul3A_47, %add3A_82 : i32
        %dma_wait3A_84 = arith.constant 0 : i32
        %dma_wait3A_85 = tpu.memref_slice %arg6[%add3A_83, %dma_wait3A_84] : memref<40x128xi32, #tpu.memory_space<vmem>> -> memref<1x128xi32, #tpu.memory_space<vmem>>
        %dma_wait3A_86 = tpu.memref_squeeze %dma_wait3A_85 : memref<1x128xi32, #tpu.memory_space<vmem>> -> memref<128xi32, #tpu.memory_space<vmem>>
        %dma_wait3A_87 = arith.constant 0 : i32
        %dma_wait3A_88 = arith.constant 0 : i32
        %dma_wait3A_89 = tpu.memref_slice %arg2[%dma_wait3A_87, %dma_wait3A_88] : memref<10240x128xf32, #tpu.memory_space<hbm>> -> memref<10240x128xf32, #tpu.memory_space<hbm>>
        tpu.wait_indirect_dma semaphore(%arg12 : memref<!tpu.dma_semaphore, #tpu.memory_space<semaphore_mem>>) src(%dma_wait3A_89 : memref<10240x128xf32, #tpu.memory_space<hbm>>) dst(%arg9 : memref<128x128xf32, #tpu.memory_space<vmem>>)
        %add3A_90 = arith.constant 1 : i32
        %add3A_91 = arith.addi %mul3A_47, %add3A_90 : i32
        %dma_start3A_92 = arith.constant 0 : i32
        %dma_start3A_93 = tpu.memref_slice %arg7[%add3A_91, %dma_start3A_92] : memref<40x128xi32, #tpu.memory_space<vmem>> -> memref<1x128xi32, #tpu.memory_space<vmem>>
        %dma_start3A_94 = tpu.memref_squeeze %dma_start3A_93 : memref<1x128xi32, #tpu.memory_space<vmem>> -> memref<128xi32, #tpu.memory_space<vmem>>
        %dma_start3A_95 = arith.constant 0 : i32
        %dma_start3A_96 = arith.constant 0 : i32
        %dma_start3A_97 = tpu.memref_slice %arg10[%dma_start3A_95, %dma_start3A_96] : memref<10240x128xf32, #tpu.memory_space<vmem_shared>> -> memref<10240x128xf32, #tpu.memory_space<vmem_shared>>
        tpu.enqueue_indirect_dma source(%arg9 : memref<128x128xf32, #tpu.memory_space<vmem>>) target(%dma_start3A_97 : memref<10240x128xf32, #tpu.memory_space<vmem_shared>>) offsets(%dma_start3A_94 : memref<128xi32, #tpu.memory_space<vmem>>) semaphore(%arg14 : memref<!tpu.dma_semaphore, #tpu.memory_space<semaphore_mem>>) {add = true}
      }
      %scan3A_38 = arith.constant 20 : i32
      %dma_wait3A = arith.constant 39 : i32
      %dma_wait3A_39 = arith.constant 0 : i32
      %dma_wait3A_40 = tpu.memref_slice %arg7[%dma_wait3A, %dma_wait3A_39] : memref<40x128xi32, #tpu.memory_space<vmem>> -> memref<1x128xi32, #tpu.memory_space<vmem>>
      %dma_wait3A_41 = tpu.memref_squeeze %dma_wait3A_40 : memref<1x128xi32, #tpu.memory_space<vmem>> -> memref<128xi32, #tpu.memory_space<vmem>>
      %dma_wait3A_42 = arith.constant 0 : i32
      %dma_wait3A_43 = arith.constant 0 : i32
      %dma_wait3A_44 = tpu.memref_slice %arg10[%dma_wait3A_42, %dma_wait3A_43] : memref<10240x128xf32, #tpu.memory_space<vmem_shared>> -> memref<10240x128xf32, #tpu.memory_space<vmem_shared>>
      tpu.wait_indirect_dma semaphore(%arg14 : memref<!tpu.dma_semaphore, #tpu.memory_space<semaphore_mem>>) src(%arg9 : memref<128x128xf32, #tpu.memory_space<vmem>>) dst(%dma_wait3A_44 : memref<10240x128xf32, #tpu.memory_space<vmem_shared>>)
    }
    %scan3A_20 = arith.constant 2 : i32
    %barrier3A_21 = arith.constant 0 : index
    tpu.barrier barrier_id(%barrier3A_21)
    "tpu.region"() ({
      %run_scoped3A = tpu.sem_alloc : memref<!tpu.dma_semaphore, #tpu.memory_space<semaphore_mem>>
      %dma_start3A = arith.constant 0 : i32
      %dma_start3A_22 = tpu.memref_slice %arg5[%arg0, %mul3A_8, %dma_start3A] : memref<2x10240x128xf32, #tpu.memory_space<hbm>> -> memref<1x640x128xf32, #tpu.memory_space<hbm>>
      %dma_start3A_23 = tpu.memref_squeeze %dma_start3A_22 : memref<1x640x128xf32, #tpu.memory_space<hbm>> -> memref<640x128xf32, #tpu.memory_space<hbm>>
      %dma_start3A_24 = arith.constant 0 : i32
      %dma_start3A_25 = tpu.memref_slice %arg10[%mul3A_8, %dma_start3A_24] : memref<10240x128xf32, #tpu.memory_space<vmem_shared>> -> memref<640x128xf32, #tpu.memory_space<vmem_shared>>
      tpu.enqueue_dma source(%dma_start3A_25 : memref<640x128xf32, #tpu.memory_space<vmem_shared>>) target(%dma_start3A_23 : memref<640x128xf32, #tpu.memory_space<hbm>>) target_semaphore(%run_scoped3A : memref<!tpu.dma_semaphore, #tpu.memory_space<semaphore_mem>>)
      %dma_wait3A = arith.constant 0 : i32
      %dma_wait3A_26 = tpu.memref_slice %arg5[%arg0, %mul3A_8, %dma_wait3A] : memref<2x10240x128xf32, #tpu.memory_space<hbm>> -> memref<1x640x128xf32, #tpu.memory_space<hbm>>
      %dma_wait3A_27 = tpu.memref_squeeze %dma_wait3A_26 : memref<1x640x128xf32, #tpu.memory_space<hbm>> -> memref<640x128xf32, #tpu.memory_space<hbm>>
      %dma_wait3A_28 = arith.constant 0 : i32
      %dma_wait3A_29 = tpu.memref_slice %arg10[%mul3A_8, %dma_wait3A_28] : memref<10240x128xf32, #tpu.memory_space<vmem_shared>> -> memref<640x128xf32, #tpu.memory_space<vmem_shared>>
      tpu.wait_dma2 semaphore(%run_scoped3A : memref<!tpu.dma_semaphore, #tpu.memory_space<semaphore_mem>>) src(%dma_wait3A_29 : memref<640x128xf32, #tpu.memory_space<vmem_shared>>) dst(%dma_wait3A_27 : memref<640x128xf32, #tpu.memory_space<hbm>>)
      tpu.yield
    }) : () -> ()
    return
  }
}

#map = affine_map<(d0, d1) -> (0, 0)>
#map1 = affine_map<(d0, d1) -> (0, 0, 0)>
module attributes {stable_mosaic.version = 14 : i64} {
  func.func @_segsum_body(%arg0: i32, %arg1: i32, %arg2: memref<10000x128xf32, #tpu.memory_space<hbm>>, %arg3: memref<32x80x128xi32, #tpu.memory_space<hbm>>, %arg4: memref<32x80x128xi32, #tpu.memory_space<hbm>>, %arg5: memref<2x10240x128xf32, #tpu.memory_space<hbm>>, %arg6: memref<40x128xi32, #tpu.memory_space<vmem>>, %arg7: memref<40x128xi32, #tpu.memory_space<vmem>>, %arg8: memref<128x128xf32, #tpu.memory_space<vmem>>, %arg9: memref<128x128xf32, #tpu.memory_space<vmem>>, %arg10: memref<10240x128xf32, #tpu.memory_space<vmem_shared>>, %arg11: memref<!tpu.dma_semaphore, #tpu.memory_space<semaphore_mem>>, %arg12: memref<!tpu.dma_semaphore, #tpu.memory_space<semaphore_mem>>, %arg13: memref<!tpu.dma_semaphore, #tpu.memory_space<semaphore_mem>>, %arg14: memref<!tpu.dma_semaphore, #tpu.memory_space<semaphore_mem>>) attributes {dimension_semantics = [#tpu.dimension_semantics<core_parallel>, #tpu.dimension_semantics<subcore_parallel>], iteration_bounds = array<i64: 2, 16>, scalar_prefetch = 0 : i64, scratch_operands = 9 : i64, tpu.core_type = #tpu.core_type<sc_vector_subcore>, window_params = [{transform_indices = #map}, {transform_indices = #map1}, {transform_indices = #map1}, {transform_indices = #map1}]} {
    %mul3A = arith.constant 2 : i32
    %mul3A_0 = arith.muli %arg1, %mul3A : i32
    %add3A = arith.addi %mul3A_0, %arg0 : i32
    %broadcast_in_dim3A = arith.constant 0.000000e+00 : f32
    %broadcast_in_dim3A_1 = vector.broadcast %broadcast_in_dim3A : f32 to vector<16xf32>
    %scan3A = arith.constant 0 : i32
    %scan3A_2 = arith.constant 0 : i32
    %scan3A_3 = arith.constant 128 : i32
    %scan3A_4 = arith.addi %scan3A_2, %scan3A_3 : i32
    %scan3A_5 = arith.constant 1 : i32
    scf.for %scan3A_22 = %scan3A_2 to %scan3A_4 step %scan3A_5  : i32 {
      %swap3A = arith.index_cast %scan3A_22 : i32 to index
      %swap3A_23 = arith.constant 0 : index
      %swap3A_24 = tpu.vector_load %arg8[%swap3A, %swap3A_23] {strides = array<i32>} : memref<128x128xf32, #tpu.memory_space<vmem>>, vector<1x16xf32>,
      %swap3A_25 = vector.shape_cast %swap3A_24 : vector<1x16xf32> to vector<16xf32>
      %swap3A_26 = vector.shape_cast %broadcast_in_dim3A_1 : vector<16xf32> to vector<1x16xf32>
      tpu.vector_store %arg8[%swap3A, %swap3A_23], %swap3A_26 {strides = array<i32>} : memref<128x128xf32, #tpu.memory_space<vmem>>, vector<1x16xf32>,
      %swap3A_27 = arith.index_cast %scan3A_22 : i32 to index
      %swap3A_28 = arith.constant 16 : index
      %swap3A_29 = tpu.vector_load %arg8[%swap3A_27, %swap3A_28] {strides = array<i32>} : memref<128x128xf32, #tpu.memory_space<vmem>>, vector<1x16xf32>,
      %swap3A_30 = vector.shape_cast %swap3A_29 : vector<1x16xf32> to vector<16xf32>
      %swap3A_31 = vector.shape_cast %broadcast_in_dim3A_1 : vector<16xf32> to vector<1x16xf32>
      tpu.vector_store %arg8[%swap3A_27, %swap3A_28], %swap3A_31 {strides = array<i32>} : memref<128x128xf32, #tpu.memory_space<vmem>>, vector<1x16xf32>,
      %swap3A_32 = arith.index_cast %scan3A_22 : i32 to index
      %swap3A_33 = arith.constant 32 : index
      %swap3A_34 = tpu.vector_load %arg8[%swap3A_32, %swap3A_33] {strides = array<i32>} : memref<128x128xf32, #tpu.memory_space<vmem>>, vector<1x16xf32>,
      %swap3A_35 = vector.shape_cast %swap3A_34 : vector<1x16xf32> to vector<16xf32>
      %swap3A_36 = vector.shape_cast %broadcast_in_dim3A_1 : vector<16xf32> to vector<1x16xf32>
      tpu.vector_store %arg8[%swap3A_32, %swap3A_33], %swap3A_36 {strides = array<i32>} : memref<128x128xf32, #tpu.memory_space<vmem>>, vector<1x16xf32>,
      %swap3A_37 = arith.index_cast %scan3A_22 : i32 to index
      %swap3A_38 = arith.constant 48 : index
      %swap3A_39 = tpu.vector_load %arg8[%swap3A_37, %swap3A_38] {strides = array<i32>} : memref<128x128xf32, #tpu.memory_space<vmem>>, vector<1x16xf32>,
      %swap3A_40 = vector.shape_cast %swap3A_39 : vector<1x16xf32> to vector<16xf32>
      %swap3A_41 = vector.shape_cast %broadcast_in_dim3A_1 : vector<16xf32> to vector<1x16xf32>
      tpu.vector_store %arg8[%swap3A_37, %swap3A_38], %swap3A_41 {strides = array<i32>} : memref<128x128xf32, #tpu.memory_space<vmem>>, vector<1x16xf32>,
      %swap3A_42 = arith.index_cast %scan3A_22 : i32 to index
      %swap3A_43 = arith.constant 64 : index
      %swap3A_44 = tpu.vector_load %arg8[%swap3A_42, %swap3A_43] {strides = array<i32>} : memref<128x128xf32, #tpu.memory_space<vmem>>, vector<1x16xf32>,
      %swap3A_45 = vector.shape_cast %swap3A_44 : vector<1x16xf32> to vector<16xf32>
      %swap3A_46 = vector.shape_cast %broadcast_in_dim3A_1 : vector<16xf32> to vector<1x16xf32>
      tpu.vector_store %arg8[%swap3A_42, %swap3A_43], %swap3A_46 {strides = array<i32>} : memref<128x128xf32, #tpu.memory_space<vmem>>, vector<1x16xf32>,
      %swap3A_47 = arith.index_cast %scan3A_22 : i32 to index
      %swap3A_48 = arith.constant 80 : index
      %swap3A_49 = tpu.vector_load %arg8[%swap3A_47, %swap3A_48] {strides = array<i32>} : memref<128x128xf32, #tpu.memory_space<vmem>>, vector<1x16xf32>,
      %swap3A_50 = vector.shape_cast %swap3A_49 : vector<1x16xf32> to vector<16xf32>
      %swap3A_51 = vector.shape_cast %broadcast_in_dim3A_1 : vector<16xf32> to vector<1x16xf32>
      tpu.vector_store %arg8[%swap3A_47, %swap3A_48], %swap3A_51 {strides = array<i32>} : memref<128x128xf32, #tpu.memory_space<vmem>>, vector<1x16xf32>,
      %swap3A_52 = arith.index_cast %scan3A_22 : i32 to index
      %swap3A_53 = arith.constant 96 : index
      %swap3A_54 = tpu.vector_load %arg8[%swap3A_52, %swap3A_53] {strides = array<i32>} : memref<128x128xf32, #tpu.memory_space<vmem>>, vector<1x16xf32>,
      %swap3A_55 = vector.shape_cast %swap3A_54 : vector<1x16xf32> to vector<16xf32>
      %swap3A_56 = vector.shape_cast %broadcast_in_dim3A_1 : vector<16xf32> to vector<1x16xf32>
      tpu.vector_store %arg8[%swap3A_52, %swap3A_53], %swap3A_56 {strides = array<i32>} : memref<128x128xf32, #tpu.memory_space<vmem>>, vector<1x16xf32>,
      %swap3A_57 = arith.index_cast %scan3A_22 : i32 to index
      %swap3A_58 = arith.constant 112 : index
      %swap3A_59 = tpu.vector_load %arg8[%swap3A_57, %swap3A_58] {strides = array<i32>} : memref<128x128xf32, #tpu.memory_space<vmem>>, vector<1x16xf32>,
      %swap3A_60 = vector.shape_cast %swap3A_59 : vector<1x16xf32> to vector<16xf32>
      %swap3A_61 = vector.shape_cast %broadcast_in_dim3A_1 : vector<16xf32> to vector<1x16xf32>
      tpu.vector_store %arg8[%swap3A_57, %swap3A_58], %swap3A_61 {strides = array<i32>} : memref<128x128xf32, #tpu.memory_space<vmem>>, vector<1x16xf32>,
    }
    %scan3A_6 = arith.constant 128 : i32
    %mul3A_7 = arith.constant 640 : i32
    %mul3A_8 = arith.muli %arg1, %mul3A_7 : i32
    %scan3A_9 = arith.constant 0 : i32
    %scan3A_10 = arith.constant 0 : i32
    %scan3A_11 = arith.constant 5 : i32
    %scan3A_12 = arith.addi %scan3A_10, %scan3A_11 : i32
    %scan3A_13 = arith.constant 1 : i32
    scf.for %scan3A_22 = %scan3A_10 to %scan3A_12 step %scan3A_13  : i32 {
      %mul3A_23 = arith.constant 128 : i32
      %mul3A_24 = arith.muli %scan3A_22, %mul3A_23 : i32
      %add3A_25 = arith.addi %mul3A_8, %mul3A_24 : i32
      "tpu.region"() ({
        %run_scoped3A = tpu.sem_alloc : memref<!tpu.dma_semaphore, #tpu.memory_space<semaphore_mem>>
        %dma_start3A = arith.constant 0 : i32
        %dma_start3A_26 = tpu.memref_slice %arg10[%add3A_25, %dma_start3A] : memref<10240x128xf32, #tpu.memory_space<vmem_shared>> -> memref<128x128xf32, #tpu.memory_space<vmem_shared>>
        %dma_start3A_27 = arith.constant 0 : i32
        %dma_start3A_28 = tpu.memref_slice %arg10[%add3A_25, %dma_start3A_27] : memref<10240x128xf32, #tpu.memory_space<vmem_shared>> -> memref<128x128xf32, #tpu.memory_space<vmem_shared>>
        tpu.enqueue_dma source(%arg8 : memref<128x128xf32, #tpu.memory_space<vmem>>) target(%dma_start3A_28 : memref<128x128xf32, #tpu.memory_space<vmem_shared>>) target_semaphore(%run_scoped3A : memref<!tpu.dma_semaphore, #tpu.memory_space<semaphore_mem>>)
        %dma_wait3A = arith.constant 0 : i32
        %dma_wait3A_29 = tpu.memref_slice %arg10[%add3A_25, %dma_wait3A] : memref<10240x128xf32, #tpu.memory_space<vmem_shared>> -> memref<128x128xf32, #tpu.memory_space<vmem_shared>>
        %dma_wait3A_30 = arith.constant 0 : i32
        %dma_wait3A_31 = tpu.memref_slice %arg10[%add3A_25, %dma_wait3A_30] : memref<10240x128xf32, #tpu.memory_space<vmem_shared>> -> memref<128x128xf32, #tpu.memory_space<vmem_shared>>
        tpu.wait_dma2 semaphore(%run_scoped3A : memref<!tpu.dma_semaphore, #tpu.memory_space<semaphore_mem>>) src(%arg8 : memref<128x128xf32, #tpu.memory_space<vmem>>) dst(%dma_wait3A_31 : memref<128x128xf32, #tpu.memory_space<vmem_shared>>)
        tpu.yield
      }) : () -> ()
    }
    %scan3A_14 = arith.constant 5 : i32
    %barrier3A = arith.constant 0 : index
    tpu.barrier barrier_id(%barrier3A)
    %scan3A_15 = arith.constant 0 : i32
    %scan3A_16 = arith.constant 0 : i32
    %scan3A_17 = arith.constant 2 : i32
    %scan3A_18 = arith.addi %scan3A_16, %scan3A_17 : i32
    %scan3A_19 = arith.constant 1 : i32
    scf.for %scan3A_22 = %scan3A_16 to %scan3A_18 step %scan3A_19  : i32 {
      %mul3A_23 = arith.constant 40 : i32
      %mul3A_24 = arith.muli %scan3A_22, %mul3A_23 : i32
      "tpu.region"() ({
        %run_scoped3A = tpu.sem_alloc : memref<!tpu.dma_semaphore, #tpu.memory_space<semaphore_mem>>
        %dma_start3A_45 = arith.constant 0 : i32
        %dma_start3A_46 = tpu.memref_slice %arg3[%add3A, %mul3A_24, %dma_start3A_45] : memref<32x80x128xi32, #tpu.memory_space<hbm>> -> memref<1x40x128xi32, #tpu.memory_space<hbm>>
        %dma_start3A_47 = tpu.memref_squeeze %dma_start3A_46 : memref<1x40x128xi32, #tpu.memory_space<hbm>> -> memref<40x128xi32, #tpu.memory_space<hbm>>
        %dma_start3A_48 = arith.constant 0 : i32
        %dma_start3A_49 = tpu.memref_slice %arg3[%add3A, %mul3A_24, %dma_start3A_48] : memref<32x80x128xi32, #tpu.memory_space<hbm>> -> memref<1x40x128xi32, #tpu.memory_space<hbm>>
        %dma_start3A_50 = tpu.memref_squeeze %dma_start3A_49 : memref<1x40x128xi32, #tpu.memory_space<hbm>> -> memref<40x128xi32, #tpu.memory_space<hbm>>
        tpu.enqueue_dma source(%dma_start3A_50 : memref<40x128xi32, #tpu.memory_space<hbm>>) target(%arg6 : memref<40x128xi32, #tpu.memory_space<vmem>>) target_semaphore(%run_scoped3A : memref<!tpu.dma_semaphore, #tpu.memory_space<semaphore_mem>>)
        %dma_wait3A_51 = arith.constant 0 : i32
        %dma_wait3A_52 = tpu.memref_slice %arg3[%add3A, %mul3A_24, %dma_wait3A_51] : memref<32x80x128xi32, #tpu.memory_space<hbm>> -> memref<1x40x128xi32, #tpu.memory_space<hbm>>
        %dma_wait3A_53 = tpu.memref_squeeze %dma_wait3A_52 : memref<1x40x128xi32, #tpu.memory_space<hbm>> -> memref<40x128xi32, #tpu.memory_space<hbm>>
        %dma_wait3A_54 = arith.constant 0 : i32
        %dma_wait3A_55 = tpu.memref_slice %arg3[%add3A, %mul3A_24, %dma_wait3A_54] : memref<32x80x128xi32, #tpu.memory_space<hbm>> -> memref<1x40x128xi32, #tpu.memory_space<hbm>>
        %dma_wait3A_56 = tpu.memref_squeeze %dma_wait3A_55 : memref<1x40x128xi32, #tpu.memory_space<hbm>> -> memref<40x128xi32, #tpu.memory_space<hbm>>
        tpu.wait_dma2 semaphore(%run_scoped3A : memref<!tpu.dma_semaphore, #tpu.memory_space<semaphore_mem>>) src(%dma_wait3A_56 : memref<40x128xi32, #tpu.memory_space<hbm>>) dst(%arg6 : memref<40x128xi32, #tpu.memory_space<vmem>>)
        tpu.yield
      }) : () -> ()
      %mul3A_25 = arith.constant 40 : i32
      %mul3A_26 = arith.muli %scan3A_22, %mul3A_25 : i32
      "tpu.region"() ({
        %run_scoped3A = tpu.sem_alloc : memref<!tpu.dma_semaphore, #tpu.memory_space<semaphore_mem>>
        %dma_start3A_45 = arith.constant 0 : i32
        %dma_start3A_46 = tpu.memref_slice %arg4[%add3A, %mul3A_26, %dma_start3A_45] : memref<32x80x128xi32, #tpu.memory_space<hbm>> -> memref<1x40x128xi32, #tpu.memory_space<hbm>>
        %dma_start3A_47 = tpu.memref_squeeze %dma_start3A_46 : memref<1x40x128xi32, #tpu.memory_space<hbm>> -> memref<40x128xi32, #tpu.memory_space<hbm>>
        %dma_start3A_48 = arith.constant 0 : i32
        %dma_start3A_49 = tpu.memref_slice %arg4[%add3A, %mul3A_26, %dma_start3A_48] : memref<32x80x128xi32, #tpu.memory_space<hbm>> -> memref<1x40x128xi32, #tpu.memory_space<hbm>>
        %dma_start3A_50 = tpu.memref_squeeze %dma_start3A_49 : memref<1x40x128xi32, #tpu.memory_space<hbm>> -> memref<40x128xi32, #tpu.memory_space<hbm>>
        tpu.enqueue_dma source(%dma_start3A_50 : memref<40x128xi32, #tpu.memory_space<hbm>>) target(%arg7 : memref<40x128xi32, #tpu.memory_space<vmem>>) target_semaphore(%run_scoped3A : memref<!tpu.dma_semaphore, #tpu.memory_space<semaphore_mem>>)
        %dma_wait3A_51 = arith.constant 0 : i32
        %dma_wait3A_52 = tpu.memref_slice %arg4[%add3A, %mul3A_26, %dma_wait3A_51] : memref<32x80x128xi32, #tpu.memory_space<hbm>> -> memref<1x40x128xi32, #tpu.memory_space<hbm>>
        %dma_wait3A_53 = tpu.memref_squeeze %dma_wait3A_52 : memref<1x40x128xi32, #tpu.memory_space<hbm>> -> memref<40x128xi32, #tpu.memory_space<hbm>>
        %dma_wait3A_54 = arith.constant 0 : i32
        %dma_wait3A_55 = tpu.memref_slice %arg4[%add3A, %mul3A_26, %dma_wait3A_54] : memref<32x80x128xi32, #tpu.memory_space<hbm>> -> memref<1x40x128xi32, #tpu.memory_space<hbm>>
        %dma_wait3A_56 = tpu.memref_squeeze %dma_wait3A_55 : memref<1x40x128xi32, #tpu.memory_space<hbm>> -> memref<40x128xi32, #tpu.memory_space<hbm>>
        tpu.wait_dma2 semaphore(%run_scoped3A : memref<!tpu.dma_semaphore, #tpu.memory_space<semaphore_mem>>) src(%dma_wait3A_56 : memref<40x128xi32, #tpu.memory_space<hbm>>) dst(%arg7 : memref<40x128xi32, #tpu.memory_space<vmem>>)
        tpu.yield
      }) : () -> ()
      %dma_start3A = arith.constant 0 : i32
      %dma_start3A_27 = arith.constant 0 : i32
      %dma_start3A_28 = tpu.memref_slice %arg6[%dma_start3A, %dma_start3A_27] : memref<40x128xi32, #tpu.memory_space<vmem>> -> memref<1x128xi32, #tpu.memory_space<vmem>>
      %dma_start3A_29 = tpu.memref_squeeze %dma_start3A_28 : memref<1x128xi32, #tpu.memory_space<vmem>> -> memref<128xi32, #tpu.memory_space<vmem>>
      %dma_start3A_30 = arith.constant 0 : i32
      %dma_start3A_31 = arith.constant 0 : i32
      %dma_start3A_32 = tpu.memref_slice %arg2[%dma_start3A_30, %dma_start3A_31] : memref<10000x128xf32, #tpu.memory_space<hbm>> -> memref<10000x128xf32, #tpu.memory_space<hbm>>
      tpu.enqueue_indirect_dma source(%dma_start3A_32 : memref<10000x128xf32, #tpu.memory_space<hbm>>) target(%arg8 : memref<128x128xf32, #tpu.memory_space<vmem>>) offsets(%dma_start3A_29 : memref<128xi32, #tpu.memory_space<vmem>>) semaphore(%arg11 : memref<!tpu.dma_semaphore, #tpu.memory_space<semaphore_mem>>)
      %scan3A_33 = arith.constant 0 : i32
      %scan3A_34 = arith.constant 0 : i32
      %scan3A_35 = arith.constant 20 : i32
      %scan3A_36 = arith.addi %scan3A_34, %scan3A_35 : i32
      %scan3A_37 = arith.constant 1 : i32
      scf.for %scan3A_45 = %scan3A_34 to %scan3A_36 step %scan3A_37  : i32 {
        %mul3A_46 = arith.constant 2 : i32
        %mul3A_47 = arith.muli %scan3A_45, %mul3A_46 : i32
        %gt3A = arith.constant 0 : i32
        %gt3A_48 = arith.cmpi sgt, %mul3A_47, %gt3A : i32
        %convert_element_type3A = arith.extui %gt3A_48 : i1 to i32
        %cond3A = arith.constant 0 : i32
        %cond3A_49 = arith.cmpi ne, %convert_element_type3A, %cond3A : i32
        scf.if %cond3A_49 {
          %sub3A = arith.constant 1 : i32
          %sub3A_98 = arith.subi %mul3A_47, %sub3A : i32
          %dma_wait3A_99 = arith.constant 0 : i32
          %dma_wait3A_100 = tpu.memref_slice %arg7[%sub3A_98, %dma_wait3A_99] : memref<40x128xi32, #tpu.memory_space<vmem>> -> memref<1x128xi32, #tpu.memory_space<vmem>>
          %dma_wait3A_101 = tpu.memref_squeeze %dma_wait3A_100 : memref<1x128xi32, #tpu.memory_space<vmem>> -> memref<128xi32, #tpu.memory_space<vmem>>
          %dma_wait3A_102 = arith.constant 0 : i32
          %dma_wait3A_103 = arith.constant 0 : i32
          %dma_wait3A_104 = tpu.memref_slice %arg10[%dma_wait3A_102, %dma_wait3A_103] : memref<10240x128xf32, #tpu.memory_space<vmem_shared>> -> memref<10240x128xf32, #tpu.memory_space<vmem_shared>>
          tpu.wait_indirect_dma semaphore(%arg14 : memref<!tpu.dma_semaphore, #tpu.memory_space<semaphore_mem>>) src(%arg9 : memref<128x128xf32, #tpu.memory_space<vmem>>) dst(%dma_wait3A_104 : memref<10240x128xf32, #tpu.memory_space<vmem_shared>>)
        } else {
        }
        %add3A_50 = arith.constant 1 : i32
        %add3A_51 = arith.addi %mul3A_47, %add3A_50 : i32
        %dma_start3A_52 = arith.constant 0 : i32
        %dma_start3A_53 = tpu.memref_slice %arg6[%add3A_51, %dma_start3A_52] : memref<40x128xi32, #tpu.memory_space<vmem>> -> memref<1x128xi32, #tpu.memory_space<vmem>>
        %dma_start3A_54 = tpu.memref_squeeze %dma_start3A_53 : memref<1x128xi32, #tpu.memory_space<vmem>> -> memref<128xi32, #tpu.memory_space<vmem>>
        %dma_start3A_55 = arith.constant 0 : i32
        %dma_start3A_56 = arith.constant 0 : i32
        %dma_start3A_57 = tpu.memref_slice %arg2[%dma_start3A_55, %dma_start3A_56] : memref<10000x128xf32, #tpu.memory_space<hbm>> -> memref<10000x128xf32, #tpu.memory_space<hbm>>
        tpu.enqueue_indirect_dma source(%dma_start3A_57 : memref<10000x128xf32, #tpu.memory_space<hbm>>) target(%arg9 : memref<128x128xf32, #tpu.memory_space<vmem>>) offsets(%dma_start3A_54 : memref<128xi32, #tpu.memory_space<vmem>>) semaphore(%arg12 : memref<!tpu.dma_semaphore, #tpu.memory_space<semaphore_mem>>)
        %dma_wait3A_58 = arith.constant 0 : i32
        %dma_wait3A_59 = tpu.memref_slice %arg6[%mul3A_47, %dma_wait3A_58] : memref<40x128xi32, #tpu.memory_space<vmem>> -> memref<1x128xi32, #tpu.memory_space<vmem>>
        %dma_wait3A_60 = tpu.memref_squeeze %dma_wait3A_59 : memref<1x128xi32, #tpu.memory_space<vmem>> -> memref<128xi32, #tpu.memory_space<vmem>>
        %dma_wait3A_61 = arith.constant 0 : i32
        %dma_wait3A_62 = arith.constant 0 : i32
        %dma_wait3A_63 = tpu.memref_slice %arg2[%dma_wait3A_61, %dma_wait3A_62] : memref<10000x128xf32, #tpu.memory_space<hbm>> -> memref<10000x128xf32, #tpu.memory_space<hbm>>
        tpu.wait_indirect_dma semaphore(%arg11 : memref<!tpu.dma_semaphore, #tpu.memory_space<semaphore_mem>>) src(%dma_wait3A_63 : memref<10000x128xf32, #tpu.memory_space<hbm>>) dst(%arg8 : memref<128x128xf32, #tpu.memory_space<vmem>>)
        %dma_start3A_64 = arith.constant 0 : i32
        %dma_start3A_65 = tpu.memref_slice %arg7[%mul3A_47, %dma_start3A_64] : memref<40x128xi32, #tpu.memory_space<vmem>> -> memref<1x128xi32, #tpu.memory_space<vmem>>
        %dma_start3A_66 = tpu.memref_squeeze %dma_start3A_65 : memref<1x128xi32, #tpu.memory_space<vmem>> -> memref<128xi32, #tpu.memory_space<vmem>>
        %dma_start3A_67 = arith.constant 0 : i32
        %dma_start3A_68 = arith.constant 0 : i32
        %dma_start3A_69 = tpu.memref_slice %arg10[%dma_start3A_67, %dma_start3A_68] : memref<10240x128xf32, #tpu.memory_space<vmem_shared>> -> memref<10240x128xf32, #tpu.memory_space<vmem_shared>>
        tpu.enqueue_indirect_dma source(%arg8 : memref<128x128xf32, #tpu.memory_space<vmem>>) target(%dma_start3A_69 : memref<10240x128xf32, #tpu.memory_space<vmem_shared>>) offsets(%dma_start3A_66 : memref<128xi32, #tpu.memory_space<vmem>>) semaphore(%arg13 : memref<!tpu.dma_semaphore, #tpu.memory_space<semaphore_mem>>) {add = true}
        %dma_wait3A_70 = arith.constant 0 : i32
        %dma_wait3A_71 = tpu.memref_slice %arg7[%mul3A_47, %dma_wait3A_70] : memref<40x128xi32, #tpu.memory_space<vmem>> -> memref<1x128xi32, #tpu.memory_space<vmem>>
        %dma_wait3A_72 = tpu.memref_squeeze %dma_wait3A_71 : memref<1x128xi32, #tpu.memory_space<vmem>> -> memref<128xi32, #tpu.memory_space<vmem>>
        %dma_wait3A_73 = arith.constant 0 : i32
        %dma_wait3A_74 = arith.constant 0 : i32
        %dma_wait3A_75 = tpu.memref_slice %arg10[%dma_wait3A_73, %dma_wait3A_74] : memref<10240x128xf32, #tpu.memory_space<vmem_shared>> -> memref<10240x128xf32, #tpu.memory_space<vmem_shared>>
        tpu.wait_indirect_dma semaphore(%arg13 : memref<!tpu.dma_semaphore, #tpu.memory_space<semaphore_mem>>) src(%arg8 : memref<128x128xf32, #tpu.memory_space<vmem>>) dst(%dma_wait3A_75 : memref<10240x128xf32, #tpu.memory_space<vmem_shared>>)
        %add3A_76 = arith.constant 2 : i32
        %add3A_77 = arith.addi %mul3A_47, %add3A_76 : i32
        %lt3A = arith.constant 40 : i32
        %lt3A_78 = arith.cmpi slt, %add3A_77, %lt3A : i32
        %convert_element_type3A_79 = arith.extui %lt3A_78 : i1 to i32
        %cond3A_80 = arith.constant 0 : i32
        %cond3A_81 = arith.cmpi ne, %convert_element_type3A_79, %cond3A_80 : i32
        scf.if %cond3A_81 {
          %add3A_98 = arith.constant 2 : i32
          %add3A_99 = arith.addi %mul3A_47, %add3A_98 : i32
          %dma_start3A_100 = arith.constant 0 : i32
          %dma_start3A_101 = tpu.memref_slice %arg6[%add3A_99, %dma_start3A_100] : memref<40x128xi32, #tpu.memory_space<vmem>> -> memref<1x128xi32, #tpu.memory_space<vmem>>
          %dma_start3A_102 = tpu.memref_squeeze %dma_start3A_101 : memref<1x128xi32, #tpu.memory_space<vmem>> -> memref<128xi32, #tpu.memory_space<vmem>>
          %dma_start3A_103 = arith.constant 0 : i32
          %dma_start3A_104 = arith.constant 0 : i32
          %dma_start3A_105 = tpu.memref_slice %arg2[%dma_start3A_103, %dma_start3A_104] : memref<10000x128xf32, #tpu.memory_space<hbm>> -> memref<10000x128xf32, #tpu.memory_space<hbm>>
          tpu.enqueue_indirect_dma source(%dma_start3A_105 : memref<10000x128xf32, #tpu.memory_space<hbm>>) target(%arg8 : memref<128x128xf32, #tpu.memory_space<vmem>>) offsets(%dma_start3A_102 : memref<128xi32, #tpu.memory_space<vmem>>) semaphore(%arg11 : memref<!tpu.dma_semaphore, #tpu.memory_space<semaphore_mem>>)
        } else {
        }
        %add3A_82 = arith.constant 1 : i32
        %add3A_83 = arith.addi %mul3A_47, %add3A_82 : i32
        %dma_wait3A_84 = arith.constant 0 : i32
        %dma_wait3A_85 = tpu.memref_slice %arg6[%add3A_83, %dma_wait3A_84] : memref<40x128xi32, #tpu.memory_space<vmem>> -> memref<1x128xi32, #tpu.memory_space<vmem>>
        %dma_wait3A_86 = tpu.memref_squeeze %dma_wait3A_85 : memref<1x128xi32, #tpu.memory_space<vmem>> -> memref<128xi32, #tpu.memory_space<vmem>>
        %dma_wait3A_87 = arith.constant 0 : i32
        %dma_wait3A_88 = arith.constant 0 : i32
        %dma_wait3A_89 = tpu.memref_slice %arg2[%dma_wait3A_87, %dma_wait3A_88] : memref<10000x128xf32, #tpu.memory_space<hbm>> -> memref<10000x128xf32, #tpu.memory_space<hbm>>
        tpu.wait_indirect_dma semaphore(%arg12 : memref<!tpu.dma_semaphore, #tpu.memory_space<semaphore_mem>>) src(%dma_wait3A_89 : memref<10000x128xf32, #tpu.memory_space<hbm>>) dst(%arg9 : memref<128x128xf32, #tpu.memory_space<vmem>>)
        %add3A_90 = arith.constant 1 : i32
        %add3A_91 = arith.addi %mul3A_47, %add3A_90 : i32
        %dma_start3A_92 = arith.constant 0 : i32
        %dma_start3A_93 = tpu.memref_slice %arg7[%add3A_91, %dma_start3A_92] : memref<40x128xi32, #tpu.memory_space<vmem>> -> memref<1x128xi32, #tpu.memory_space<vmem>>
        %dma_start3A_94 = tpu.memref_squeeze %dma_start3A_93 : memref<1x128xi32, #tpu.memory_space<vmem>> -> memref<128xi32, #tpu.memory_space<vmem>>
        %dma_start3A_95 = arith.constant 0 : i32
        %dma_start3A_96 = arith.constant 0 : i32
        %dma_start3A_97 = tpu.memref_slice %arg10[%dma_start3A_95, %dma_start3A_96] : memref<10240x128xf32, #tpu.memory_space<vmem_shared>> -> memref<10240x128xf32, #tpu.memory_space<vmem_shared>>
        tpu.enqueue_indirect_dma source(%arg9 : memref<128x128xf32, #tpu.memory_space<vmem>>) target(%dma_start3A_97 : memref<10240x128xf32, #tpu.memory_space<vmem_shared>>) offsets(%dma_start3A_94 : memref<128xi32, #tpu.memory_space<vmem>>) semaphore(%arg14 : memref<!tpu.dma_semaphore, #tpu.memory_space<semaphore_mem>>) {add = true}
      }
      %scan3A_38 = arith.constant 20 : i32
      %dma_wait3A = arith.constant 39 : i32
      %dma_wait3A_39 = arith.constant 0 : i32
      %dma_wait3A_40 = tpu.memref_slice %arg7[%dma_wait3A, %dma_wait3A_39] : memref<40x128xi32, #tpu.memory_space<vmem>> -> memref<1x128xi32, #tpu.memory_space<vmem>>
      %dma_wait3A_41 = tpu.memref_squeeze %dma_wait3A_40 : memref<1x128xi32, #tpu.memory_space<vmem>> -> memref<128xi32, #tpu.memory_space<vmem>>
      %dma_wait3A_42 = arith.constant 0 : i32
      %dma_wait3A_43 = arith.constant 0 : i32
      %dma_wait3A_44 = tpu.memref_slice %arg10[%dma_wait3A_42, %dma_wait3A_43] : memref<10240x128xf32, #tpu.memory_space<vmem_shared>> -> memref<10240x128xf32, #tpu.memory_space<vmem_shared>>
      tpu.wait_indirect_dma semaphore(%arg14 : memref<!tpu.dma_semaphore, #tpu.memory_space<semaphore_mem>>) src(%arg9 : memref<128x128xf32, #tpu.memory_space<vmem>>) dst(%dma_wait3A_44 : memref<10240x128xf32, #tpu.memory_space<vmem_shared>>)
    }
    %scan3A_20 = arith.constant 2 : i32
    %barrier3A_21 = arith.constant 0 : index
    tpu.barrier barrier_id(%barrier3A_21)
    "tpu.region"() ({
      %run_scoped3A = tpu.sem_alloc : memref<!tpu.dma_semaphore, #tpu.memory_space<semaphore_mem>>
      %dma_start3A = arith.constant 0 : i32
      %dma_start3A_22 = tpu.memref_slice %arg5[%arg0, %mul3A_8, %dma_start3A] : memref<2x10240x128xf32, #tpu.memory_space<hbm>> -> memref<1x640x128xf32, #tpu.memory_space<hbm>>
      %dma_start3A_23 = tpu.memref_squeeze %dma_start3A_22 : memref<1x640x128xf32, #tpu.memory_space<hbm>> -> memref<640x128xf32, #tpu.memory_space<hbm>>
      %dma_start3A_24 = arith.constant 0 : i32
      %dma_start3A_25 = tpu.memref_slice %arg10[%mul3A_8, %dma_start3A_24] : memref<10240x128xf32, #tpu.memory_space<vmem_shared>> -> memref<640x128xf32, #tpu.memory_space<vmem_shared>>
      tpu.enqueue_dma source(%dma_start3A_25 : memref<640x128xf32, #tpu.memory_space<vmem_shared>>) target(%dma_start3A_23 : memref<640x128xf32, #tpu.memory_space<hbm>>) target_semaphore(%run_scoped3A : memref<!tpu.dma_semaphore, #tpu.memory_space<semaphore_mem>>)
      %dma_wait3A = arith.constant 0 : i32
      %dma_wait3A_26 = tpu.memref_slice %arg5[%arg0, %mul3A_8, %dma_wait3A] : memref<2x10240x128xf32, #tpu.memory_space<hbm>> -> memref<1x640x128xf32, #tpu.memory_space<hbm>>
      %dma_wait3A_27 = tpu.memref_squeeze %dma_wait3A_26 : memref<1x640x128xf32, #tpu.memory_space<hbm>> -> memref<640x128xf32, #tpu.memory_space<hbm>>
      %dma_wait3A_28 = arith.constant 0 : i32
      %dma_wait3A_29 = tpu.memref_slice %arg10[%mul3A_8, %dma_wait3A_28] : memref<10240x128xf32, #tpu.memory_space<vmem_shared>> -> memref<640x128xf32, #tpu.memory_space<vmem_shared>>
      tpu.wait_dma2 semaphore(%run_scoped3A : memref<!tpu.dma_semaphore, #tpu.memory_space<semaphore_mem>>) src(%dma_wait3A_29 : memref<640x128xf32, #tpu.memory_space<vmem_shared>>) dst(%dma_wait3A_27 : memref<640x128xf32, #tpu.memory_space<hbm>>)
      tpu.yield
    }) : () -> ()
    return
  }
}

module attributes {stable_mosaic.version = 14 : i64} {
  func.func @_mlp_body(%arg0: i32, %arg1: memref<2x1280x128xf32, #tpu.memory_space<vmem>>, %arg2: memref<128x128xf32, #tpu.memory_space<vmem>>, %arg3: memref<1x128xf32, #tpu.memory_space<vmem>>, %arg4: memref<128x128xf32, #tpu.memory_space<vmem>>, %arg5: memref<1x128xf32, #tpu.memory_space<vmem>>, %arg6: memref<1280x128xf32, #tpu.memory_space<vmem>>) attributes {dimension_semantics = [#tpu.dimension_semantics<arbitrary>], iteration_bounds = array<i64: 8>, scalar_prefetch = 0 : i64, scratch_operands = 0 : i64, tpu.core_type = #tpu.core_type<tc>, window_params = [{transform_indices = @transform_0, window_bounds = array<i64: 2, 1280, 128>}, {pipeline_mode = #tpu.pipeline_mode<synchronous>, transform_indices = @transform_1, window_bounds = array<i64: 128, 128>}, {pipeline_mode = #tpu.pipeline_mode<synchronous>, transform_indices = @transform_2, window_bounds = array<i64: 1, 128>}, {pipeline_mode = #tpu.pipeline_mode<synchronous>, transform_indices = @transform_3, window_bounds = array<i64: 128, 128>}, {pipeline_mode = #tpu.pipeline_mode<synchronous>, transform_indices = @transform_4, window_bounds = array<i64: 1, 128>}, {transform_indices = @transform_5, window_bounds = array<i64: 1280, 128>}]} {
    %get3A = arith.constant 0 : index
    %get3A_0 = arith.constant 0 : index
    %get3A_1 = arith.constant 0 : index
    %get3A_2 = vector.load %arg1[%get3A, %get3A_0, %get3A_1] : memref<2x1280x128xf32, #tpu.memory_space<vmem>>, vector<1x1280x128xf32>
    %get3A_3 = vector.shape_cast %get3A_2 : vector<1x1280x128xf32> to vector<1280x128xf32>
    %get3A_4 = arith.constant 1 : index
    %get3A_5 = arith.constant 0 : index
    %get3A_6 = arith.constant 0 : index
    %get3A_7 = vector.load %arg1[%get3A_4, %get3A_5, %get3A_6] : memref<2x1280x128xf32, #tpu.memory_space<vmem>>, vector<1x1280x128xf32>
    %get3A_8 = vector.shape_cast %get3A_7 : vector<1x1280x128xf32> to vector<1280x128xf32>
    %add3A = arith.addf %get3A_3, %get3A_8 : vector<1280x128xf32>
    %get3A_9 = arith.constant 0 : index
    %get3A_10 = arith.constant 0 : index
    %get3A_11 = vector.load %arg2[%get3A_9, %get3A_10] : memref<128x128xf32, #tpu.memory_space<vmem>>, vector<128x128xf32>
    %dot_general3A = arith.constant dense<0.000000e+00> : vector<1280x128xf32>
    %dot_general3A_12 = tpu.matmul %add3A, %get3A_11, %dot_general3A {dimension_numbers = #tpu.dot_dimension_numbers<[1], [0], [0], [1], [0, 0, 1, 1], [], []>, transpose_lhs_hint = false} : vector<1280x128xf32>, vector<128x128xf32>, vector<1280x128xf32> -> vector<1280x128xf32>
    %get3A_13 = arith.constant 0 : index
    %get3A_14 = arith.constant 0 : index
    %get3A_15 = vector.load %arg3[%get3A_13, %get3A_14] : memref<1x128xf32, #tpu.memory_space<vmem>>, vector<1x128xf32>
    %add3A_16 = vector.broadcast %get3A_15 : vector<1x128xf32> to vector<1280x128xf32>
    %add3A_17 = arith.addf %dot_general3A_12, %add3A_16 : vector<1280x128xf32>
    %max3A = arith.constant 0.000000e+00 : f32
    %max3A_18 = vector.broadcast %max3A : f32 to vector<1280x128xf32>
    %max3A_19 = arith.maximumf %add3A_17, %max3A_18 : vector<1280x128xf32>
    %get3A_20 = arith.constant 0 : index
    %get3A_21 = arith.constant 0 : index
    %get3A_22 = vector.load %arg4[%get3A_20, %get3A_21] : memref<128x128xf32, #tpu.memory_space<vmem>>, vector<128x128xf32>
    %dot_general3A_23 = arith.constant dense<0.000000e+00> : vector<1280x128xf32>
    %dot_general3A_24 = tpu.matmul %max3A_19, %get3A_22, %dot_general3A_23 {dimension_numbers = #tpu.dot_dimension_numbers<[1], [0], [0], [1], [0, 0, 1, 1], [], []>, transpose_lhs_hint = false} : vector<1280x128xf32>, vector<128x128xf32>, vector<1280x128xf32> -> vector<1280x128xf32>
    %get3A_25 = arith.constant 0 : index
    %get3A_26 = arith.constant 0 : index
    %get3A_27 = vector.load %arg5[%get3A_25, %get3A_26] : memref<1x128xf32, #tpu.memory_space<vmem>>, vector<1x128xf32>
    %add3A_28 = vector.broadcast %get3A_27 : vector<1x128xf32> to vector<1280x128xf32>
    %add3A_29 = arith.addf %dot_general3A_24, %add3A_28 : vector<1280x128xf32>
    %swap3A = arith.constant 0 : index
    %swap3A_30 = arith.constant 0 : index
    %swap3A_31 = vector.load %arg6[%swap3A, %swap3A_30] : memref<1280x128xf32, #tpu.memory_space<vmem>>, vector<1280x128xf32>
    tpu.vector_store %arg6[%swap3A, %swap3A_30], %add3A_29 {strides = array<i32>} : memref<1280x128xf32, #tpu.memory_space<vmem>>, vector<1280x128xf32>,
    return
  }
  func.func @transform_0(%arg0: i32) -> (i32, i32, i32) {
    %c0_i32 = arith.constant 0 : i32
    %c0_i32_0 = arith.constant 0 : i32
    %c0_i32_1 = arith.constant 0 : i32
    return %c0_i32, %arg0, %c0_i32_0 : i32, i32, i32
  }
  func.func @transform_1(%arg0: i32) -> (i32, i32) {
    %c0_i32 = arith.constant 0 : i32
    %c0_i32_0 = arith.constant 0 : i32
    %c0_i32_1 = arith.constant 0 : i32
    return %c0_i32, %c0_i32_0 : i32, i32
  }
  func.func @transform_2(%arg0: i32) -> (i32, i32) {
    %c0_i32 = arith.constant 0 : i32
    %c0_i32_0 = arith.constant 0 : i32
    %c0_i32_1 = arith.constant 0 : i32
    return %c0_i32, %c0_i32_0 : i32, i32
  }
  func.func @transform_3(%arg0: i32) -> (i32, i32) {
    %c0_i32 = arith.constant 0 : i32
    %c0_i32_0 = arith.constant 0 : i32
    %c0_i32_1 = arith.constant 0 : i32
    return %c0_i32, %c0_i32_0 : i32, i32
  }
  func.func @transform_4(%arg0: i32) -> (i32, i32) {
    %c0_i32 = arith.constant 0 : i32
    %c0_i32_0 = arith.constant 0 : i32
    %c0_i32_1 = arith.constant 0 : i32
    return %c0_i32, %c0_i32_0 : i32, i32
  }
  func.func @transform_5(%arg0: i32) -> (i32, i32) {
    %c0_i32 = arith.constant 0 : i32
    %c0_i32_0 = arith.constant 0 : i32
    return %arg0, %c0_i32 : i32, i32
  }
}

module attributes {stable_mosaic.version = 14 : i64} {
  func.func @_final_body(%arg0: i32, %arg1: memref<2x2000x128xf32, #tpu.memory_space<vmem>>, %arg2: memref<2000x128xf32, #tpu.memory_space<vmem>>, %arg3: memref<2000x128xf32, #tpu.memory_space<vmem>>, %arg4: memref<128x128xf32, #tpu.memory_space<vmem>>, %arg5: memref<1x128xf32, #tpu.memory_space<vmem>>, %arg6: memref<128x128xf32, #tpu.memory_space<vmem>>, %arg7: memref<1x128xf32, #tpu.memory_space<vmem>>, %arg8: memref<128x128xf32, #tpu.memory_space<vmem>>, %arg9: memref<128x128xf32, #tpu.memory_space<vmem>>, %arg10: memref<128x128xf32, #tpu.memory_space<vmem>>, %arg11: memref<1x128xf32, #tpu.memory_space<vmem>>, %arg12: memref<128x128xf32, #tpu.memory_space<vmem>>, %arg13: memref<1x128xf32, #tpu.memory_space<vmem>>, %arg14: memref<2000x128xf32, #tpu.memory_space<vmem>>) attributes {dimension_semantics = [#tpu.dimension_semantics<arbitrary>], iteration_bounds = array<i64: 5>, scalar_prefetch = 0 : i64, scratch_operands = 0 : i64, tpu.core_type = #tpu.core_type<tc>, window_params = [{transform_indices = @transform_0, window_bounds = array<i64: 2, 2000, 128>}, {transform_indices = @transform_1, window_bounds = array<i64: 2000, 128>}, {transform_indices = @transform_2, window_bounds = array<i64: 2000, 128>}, {pipeline_mode = #tpu.pipeline_mode<synchronous>, transform_indices = @transform_3, window_bounds = array<i64: 128, 128>}, {pipeline_mode = #tpu.pipeline_mode<synchronous>, transform_indices = @transform_4, window_bounds = array<i64: 1, 128>}, {pipeline_mode = #tpu.pipeline_mode<synchronous>, transform_indices = @transform_5, window_bounds = array<i64: 128, 128>}, {pipeline_mode = #tpu.pipeline_mode<synchronous>, transform_indices = @transform_6, window_bounds = array<i64: 1, 128>}, {pipeline_mode = #tpu.pipeline_mode<synchronous>, transform_indices = @transform_7, window_bounds = array<i64: 128, 128>}, {pipeline_mode = #tpu.pipeline_mode<synchronous>, transform_indices = @transform_8, window_bounds = array<i64: 128, 128>}, {pipeline_mode = #tpu.pipeline_mode<synchronous>, transform_indices = @transform_9, window_bounds = array<i64: 128, 128>}, {pipeline_mode = #tpu.pipeline_mode<synchronous>, transform_indices = @transform_10, window_bounds = array<i64: 1, 128>}, {pipeline_mode = #tpu.pipeline_mode<synchronous>, transform_indices = @transform_11, window_bounds = array<i64: 128, 128>}, {pipeline_mode = #tpu.pipeline_mode<synchronous>, transform_indices = @transform_12, window_bounds = array<i64: 1, 128>}, {transform_indices = @transform_13, window_bounds = array<i64: 2000, 128>}]} {
    %get3A = arith.constant 0 : index
    %get3A_0 = arith.constant 0 : index
    %get3A_1 = arith.constant 0 : index
    %get3A_2 = vector.load %arg1[%get3A, %get3A_0, %get3A_1] : memref<2x2000x128xf32, #tpu.memory_space<vmem>>, vector<1x2000x128xf32>
    %get3A_3 = vector.shape_cast %get3A_2 : vector<1x2000x128xf32> to vector<2000x128xf32>
    %get3A_4 = arith.constant 1 : index
    %get3A_5 = arith.constant 0 : index
    %get3A_6 = arith.constant 0 : index
    %get3A_7 = vector.load %arg1[%get3A_4, %get3A_5, %get3A_6] : memref<2x2000x128xf32, #tpu.memory_space<vmem>>, vector<1x2000x128xf32>
    %get3A_8 = vector.shape_cast %get3A_7 : vector<1x2000x128xf32> to vector<2000x128xf32>
    %add3A = arith.addf %get3A_3, %get3A_8 : vector<2000x128xf32>
    %get3A_9 = arith.constant 0 : index
    %get3A_10 = arith.constant 0 : index
    %get3A_11 = vector.load %arg4[%get3A_9, %get3A_10] : memref<128x128xf32, #tpu.memory_space<vmem>>, vector<128x128xf32>
    %dot_general3A = arith.constant dense<0.000000e+00> : vector<2000x128xf32>
    %dot_general3A_12 = tpu.matmul %add3A, %get3A_11, %dot_general3A {dimension_numbers = #tpu.dot_dimension_numbers<[1], [0], [0], [1], [0, 0, 1, 1], [], []>, transpose_lhs_hint = false} : vector<2000x128xf32>, vector<128x128xf32>, vector<2000x128xf32> -> vector<2000x128xf32>
    %get3A_13 = arith.constant 0 : index
    %get3A_14 = arith.constant 0 : index
    %get3A_15 = vector.load %arg5[%get3A_13, %get3A_14] : memref<1x128xf32, #tpu.memory_space<vmem>>, vector<1x128xf32>
    %add3A_16 = vector.broadcast %get3A_15 : vector<1x128xf32> to vector<2000x128xf32>
    %add3A_17 = arith.addf %dot_general3A_12, %add3A_16 : vector<2000x128xf32>
    %max3A = arith.constant 0.000000e+00 : f32
    %max3A_18 = vector.broadcast %max3A : f32 to vector<2000x128xf32>
    %max3A_19 = arith.maximumf %add3A_17, %max3A_18 : vector<2000x128xf32>
    %get3A_20 = arith.constant 0 : index
    %get3A_21 = arith.constant 0 : index
    %get3A_22 = vector.load %arg6[%get3A_20, %get3A_21] : memref<128x128xf32, #tpu.memory_space<vmem>>, vector<128x128xf32>
    %dot_general3A_23 = arith.constant dense<0.000000e+00> : vector<2000x128xf32>
    %dot_general3A_24 = tpu.matmul %max3A_19, %get3A_22, %dot_general3A_23 {dimension_numbers = #tpu.dot_dimension_numbers<[1], [0], [0], [1], [0, 0, 1, 1], [], []>, transpose_lhs_hint = false} : vector<2000x128xf32>, vector<128x128xf32>, vector<2000x128xf32> -> vector<2000x128xf32>
    %get3A_25 = arith.constant 0 : index
    %get3A_26 = arith.constant 0 : index
    %get3A_27 = vector.load %arg7[%get3A_25, %get3A_26] : memref<1x128xf32, #tpu.memory_space<vmem>>, vector<1x128xf32>
    %add3A_28 = vector.broadcast %get3A_27 : vector<1x128xf32> to vector<2000x128xf32>
    %add3A_29 = arith.addf %dot_general3A_24, %add3A_28 : vector<2000x128xf32>
    %get3A_30 = arith.constant 0 : index
    %get3A_31 = arith.constant 0 : index
    %get3A_32 = vector.load %arg8[%get3A_30, %get3A_31] : memref<128x128xf32, #tpu.memory_space<vmem>>, vector<128x128xf32>
    %dot_general3A_33 = arith.constant dense<0.000000e+00> : vector<2000x128xf32>
    %dot_general3A_34 = tpu.matmul %add3A_29, %get3A_32, %dot_general3A_33 {dimension_numbers = #tpu.dot_dimension_numbers<[1], [0], [0], [1], [0, 0, 1, 1], [], []>, transpose_lhs_hint = false} : vector<2000x128xf32>, vector<128x128xf32>, vector<2000x128xf32> -> vector<2000x128xf32>
    %get3A_35 = arith.constant 0 : index
    %get3A_36 = arith.constant 0 : index
    %get3A_37 = vector.load %arg2[%get3A_35, %get3A_36] : memref<2000x128xf32, #tpu.memory_space<vmem>>, vector<2000x128xf32>
    %get3A_38 = arith.constant 0 : index
    %get3A_39 = arith.constant 0 : index
    %get3A_40 = vector.load %arg9[%get3A_38, %get3A_39] : memref<128x128xf32, #tpu.memory_space<vmem>>, vector<128x128xf32>
    %dot_general3A_41 = arith.constant dense<0.000000e+00> : vector<2000x128xf32>
    %dot_general3A_42 = tpu.matmul %get3A_37, %get3A_40, %dot_general3A_41 {dimension_numbers = #tpu.dot_dimension_numbers<[1], [0], [0], [1], [0, 0, 1, 1], [], []>, transpose_lhs_hint = false} : vector<2000x128xf32>, vector<128x128xf32>, vector<2000x128xf32> -> vector<2000x128xf32>
    %add3A_43 = arith.addf %dot_general3A_34, %dot_general3A_42 : vector<2000x128xf32>
    %get3A_44 = arith.constant 0 : index
    %get3A_45 = arith.constant 0 : index
    %get3A_46 = vector.load %arg3[%get3A_44, %get3A_45] : memref<2000x128xf32, #tpu.memory_space<vmem>>, vector<2000x128xf32>
    %get3A_47 = arith.constant 0 : index
    %get3A_48 = arith.constant 0 : index
    %get3A_49 = vector.load %arg10[%get3A_47, %get3A_48] : memref<128x128xf32, #tpu.memory_space<vmem>>, vector<128x128xf32>
    %dot_general3A_50 = arith.constant dense<0.000000e+00> : vector<2000x128xf32>
    %dot_general3A_51 = tpu.matmul %get3A_46, %get3A_49, %dot_general3A_50 {dimension_numbers = #tpu.dot_dimension_numbers<[1], [0], [0], [1], [0, 0, 1, 1], [], []>, transpose_lhs_hint = false} : vector<2000x128xf32>, vector<128x128xf32>, vector<2000x128xf32> -> vector<2000x128xf32>
    %add3A_52 = arith.addf %add3A_43, %dot_general3A_51 : vector<2000x128xf32>
    %get3A_53 = arith.constant 0 : index
    %get3A_54 = arith.constant 0 : index
    %get3A_55 = vector.load %arg11[%get3A_53, %get3A_54] : memref<1x128xf32, #tpu.memory_space<vmem>>, vector<1x128xf32>
    %add3A_56 = vector.broadcast %get3A_55 : vector<1x128xf32> to vector<2000x128xf32>
    %add3A_57 = arith.addf %add3A_52, %add3A_56 : vector<2000x128xf32>
    %max3A_58 = arith.constant 0.000000e+00 : f32
    %max3A_59 = vector.broadcast %max3A_58 : f32 to vector<2000x128xf32>
    %max3A_60 = arith.maximumf %add3A_57, %max3A_59 : vector<2000x128xf32>
    %get3A_61 = arith.constant 0 : index
    %get3A_62 = arith.constant 0 : index
    %get3A_63 = vector.load %arg12[%get3A_61, %get3A_62] : memref<128x128xf32, #tpu.memory_space<vmem>>, vector<128x128xf32>
    %dot_general3A_64 = arith.constant dense<0.000000e+00> : vector<2000x128xf32>
    %dot_general3A_65 = tpu.matmul %max3A_60, %get3A_63, %dot_general3A_64 {dimension_numbers = #tpu.dot_dimension_numbers<[1], [0], [0], [1], [0, 0, 1, 1], [], []>, transpose_lhs_hint = false} : vector<2000x128xf32>, vector<128x128xf32>, vector<2000x128xf32> -> vector<2000x128xf32>
    %get3A_66 = arith.constant 0 : index
    %get3A_67 = arith.constant 0 : index
    %get3A_68 = vector.load %arg13[%get3A_66, %get3A_67] : memref<1x128xf32, #tpu.memory_space<vmem>>, vector<1x128xf32>
    %add3A_69 = vector.broadcast %get3A_68 : vector<1x128xf32> to vector<2000x128xf32>
    %add3A_70 = arith.addf %dot_general3A_65, %add3A_69 : vector<2000x128xf32>
    %swap3A = arith.constant 0 : index
    %swap3A_71 = arith.constant 0 : index
    %swap3A_72 = vector.load %arg14[%swap3A, %swap3A_71] : memref<2000x128xf32, #tpu.memory_space<vmem>>, vector<2000x128xf32>
    tpu.vector_store %arg14[%swap3A, %swap3A_71], %add3A_70 {strides = array<i32>} : memref<2000x128xf32, #tpu.memory_space<vmem>>, vector<2000x128xf32>,
    return
  }
  func.func @transform_0(%arg0: i32) -> (i32, i32, i32) {
    %c0_i32 = arith.constant 0 : i32
    %c0_i32_0 = arith.constant 0 : i32
    %c0_i32_1 = arith.constant 0 : i32
    return %c0_i32, %arg0, %c0_i32_0 : i32, i32, i32
  }
  func.func @transform_1(%arg0: i32) -> (i32, i32) {
    %c0_i32 = arith.constant 0 : i32
    %c0_i32_0 = arith.constant 0 : i32
    return %arg0, %c0_i32 : i32, i32
  }
  func.func @transform_2(%arg0: i32) -> (i32, i32) {
    %c0_i32 = arith.constant 0 : i32
    %c0_i32_0 = arith.constant 0 : i32
    return %arg0, %c0_i32 : i32, i32
  }
  func.func @transform_3(%arg0: i32) -> (i32, i32) {
    %c0_i32 = arith.constant 0 : i32
    %c0_i32_0 = arith.constant 0 : i32
    %c0_i32_1 = arith.constant 0 : i32
    return %c0_i32, %c0_i32_0 : i32, i32
  }
  func.func @transform_4(%arg0: i32) -> (i32, i32) {
    %c0_i32 = arith.constant 0 : i32
    %c0_i32_0 = arith.constant 0 : i32
    %c0_i32_1 = arith.constant 0 : i32
    return %c0_i32, %c0_i32_0 : i32, i32
  }
  func.func @transform_5(%arg0: i32) -> (i32, i32) {
    %c0_i32 = arith.constant 0 : i32
    %c0_i32_0 = arith.constant 0 : i32
    %c0_i32_1 = arith.constant 0 : i32
    return %c0_i32, %c0_i32_0 : i32, i32
  }
  func.func @transform_6(%arg0: i32) -> (i32, i32) {
    %c0_i32 = arith.constant 0 : i32
    %c0_i32_0 = arith.constant 0 : i32
    %c0_i32_1 = arith.constant 0 : i32
    return %c0_i32, %c0_i32_0 : i32, i32
  }
  func.func @transform_7(%arg0: i32) -> (i32, i32) {
    %c0_i32 = arith.constant 0 : i32
    %c0_i32_0 = arith.constant 0 : i32
    %c0_i32_1 = arith.constant 0 : i32
    return %c0_i32, %c0_i32_0 : i32, i32
  }
  func.func @transform_8(%arg0: i32) -> (i32, i32) {
    %c0_i32 = arith.constant 0 : i32
    %c0_i32_0 = arith.constant 0 : i32
    %c0_i32_1 = arith.constant 0 : i32
    return %c0_i32, %c0_i32_0 : i32, i32
  }
  func.func @transform_9(%arg0: i32) -> (i32, i32) {
    %c0_i32 = arith.constant 0 : i32
    %c0_i32_0 = arith.constant 0 : i32
    %c0_i32_1 = arith.constant 0 : i32
    return %c0_i32, %c0_i32_0 : i32, i32
  }
  func.func @transform_10(%arg0: i32) -> (i32, i32) {
    %c0_i32 = arith.constant 0 : i32
    %c0_i32_0 = arith.constant 0 : i32
    %c0_i32_1 = arith.constant 0 : i32
    return %c0_i32, %c0_i32_0 : i32, i32
  }
  func.func @transform_11(%arg0: i32) -> (i32, i32) {
    %c0_i32 = arith.constant 0 : i32
    %c0_i32_0 = arith.constant 0 : i32
    %c0_i32_1 = arith.constant 0 : i32
    return %c0_i32, %c0_i32_0 : i32, i32
  }
  func.func @transform_12(%arg0: i32) -> (i32, i32) {
    %c0_i32 = arith.constant 0 : i32
    %c0_i32_0 = arith.constant 0 : i32
    %c0_i32_1 = arith.constant 0 : i32
    return %c0_i32, %c0_i32_0 : i32, i32
  }
  func.func @transform_13(%arg0: i32) -> (i32, i32) {
    %c0_i32 = arith.constant 0 : i32
    %c0_i32_0 = arith.constant 0 : i32
    return %arg0, %c0_i32 : i32, i32
  }
}

</mosaic_0001>

<sc_bundles>
// kernel: kernel.6.cloned.1.call-start
scs
__scs_entry_jumppad:
0x0: {  	(pc) =	sbr.rel $0x88, $3  }
0x1: {  	(tag) =	ssettag $0x0;
	lr =	simm.s32 $0x1  }
0x2: {  	[smem:$0x3F91] =	sst lr;
	_ =	strace $0xD0000000  }
0x3: {  	_ = 	snop  }
0x4: {  	_ = 	snop  }
0x5: {  	_ = 	snop  }
0x6: {  	_ = 	snop  }
0x7: {  	_ = 	snop  }
__scs_overlays_trampoline_lowered:
0x8: {  	[smem:$0x3FA0] =	sst s0  }
0x9: {  	[smem:$0x3FA1] =	sst s1  }
0xa: {  	[smem:$0x3FA2] =	sst s2  }
0xb: {  	[smem:$0x3FA3] =	sst s3  }
0xc: {  	[smem:$0x3FA4] =	sst s4  }
0xd: {  	[smem:$0x3FA5] =	sst s5  }
0xe: {  	[smem:$0x3FA6] =	sst s6  }
0xf: {  	[smem:$0x3FA7] =	sst s7  }
0x10: {  	[smem:$0x3FA8] =	sst s8  }
0x11: {  	[smem:$0x3FA9] =	sst s9;
	s0 =	simm.s32 @!p0 $0x0  }
0x12: {  	s1 =	sld [smem:$0x3F8F];
	s0 =	simm.s32 @p0 $0x1  }
0x13: {  	[smem:$0x3FAA] =	sst s0;
	s0 =	simm.s32 @!p1 $0x0  }
0x14: {  	s2 =	sld [smem:$0x3F8E];
	s0 =	simm.s32 @p1 $0x1  }
0x15: {  	[smem:$0x3FAB] =	sst s0;
	s0 =	simm.s32 @!p2 $0x0  }
0x16: {  	s3 =	sld [smem:$0x3FDB];
	s0 =	simm.s32 @p2 $0x1  }
0x17: {  	s4 =	simm.s32 $0x1BF5;
	[smem:$0x3FAD] =	sst s0  }
0x18: {  	s0 =	sld [smem:$0x3F90];
	_ =	swait.ge [sflag:s4], $0x0  }
0x19: {  	s7 =	sld [smem:$0x3F91]  }
0x1a: {  	s8 =	sadd.s32 $0xFFFFE003, lr  }
0x1b: {  	s9 =	sadd.s32 $0xFFFFFEF7, lr;
	s5 =	simm.s32 $0xFFFFFFFF;
	p2 =	slt.u32 s8, $0xFFFFF086  }
0x1c: {  	p1 =	slt.u32 s9, $0xF7A;
	s5 =	simm.s32 @!p2 $0x0  }
0x1d: {  	s5 =	simm.s32 @p1 $0x1;
	p0 =	seq.s32 s7, s2  }
0x1e: {  	s7 =	smul.u32 @!p0 $0xF7A, s2;
	p2 =	seq.s32 @!p0 s5, $0x0  }
0x1f: {  	s9 =	smul.u32 $0xF7A, s1;
	s8 =	simm.s32 @!p0 $0x1BF5;
	p2 =	por !p2, p0  }
0x20: {  	[sflag:s8] =	ssyncset.s32 @!p0 $0xFFFFF086;
	s6 =	sadd.s32 @!p0 s3, s7;
	s7 =	simm.s32 @!p0 $0x108  }
0x21: {  	s3 =	sadd.s32 s3, s9;
	s6 =	sadd.s32 @!p0 $0x88, s6;
	s7 =	simm.s32 @p2 $0x1082  }
0x22: {  	[simem:s7], [sflag:s8] =	dma.local @!p0 [hbm:s6], $0xF7A  }
0x23: {  	s9 =	sor.u32 $0xD0000000, s2;
	s6 =	simm.s32 $0x108;
	_ =	swait.ge @!p0 [sflag:s8], $0x0  }
0x24: {  	s3 =	sadd.s32 $0x88, s3;
	s6 =	simm.s32 @!p1 $0x1082;
	[sflag:s4] =	ssyncset.s32 $0xFFFFF086  }
0x25: {  	[simem:s6], [sflag:s4] =	dma.local [hbm:s3], $0xF7A  }
0x26: {  	[smem:$0x3F91] =	sst s1;
	(tag) =	ssettag s2;
	_ =	strace s9  }
0x27: {  	s1 =	sld [smem:$0x3FA1]  }
0x28: {  	s2 =	sld [smem:$0x3FA2]  }
0x29: {  	s4 =	sld [smem:$0x3FA4]  }
0x2a: {  	p0 =	seq.s32 s5, $0x0;
	s5 =	sld [smem:$0x3FA5]  }
0x2b: {  	s6 =	sld [smem:$0x3FA6]  }
0x2c: {  	s7 =	sld [smem:$0x3FA7]  }
0x2d: {  	s3 =	simm.s32 $0x108;
	s8 =	sld [smem:$0x3FA8]  }
0x2e: {  	s3 =	simm.s32 @!p0 $0x1082;
	s9 =	sld [smem:$0x3FA9]  }
0x2f: {  	lr =	sadd.s32 s0, s3;
	s0 =	sld [smem:$0x3FA0]  }
0x30: {  	s3 =	sld [smem:$0x3FA3]  }
0x31: {  	[smem:$0x3FAC] =	sst s10  }
0x32: {  	s10 =	sld [smem:$0x3FAA];
	_ =	sdelay $0x3  }
0x33: {  	p0 =	seq.s32 s10, $0x1;
	s10 =	sld [smem:$0x3FAC];
	_ =	sdelay $0x3  }
0x34: {  	[smem:$0x3FAC] =	sst s10  }
0x35: {  	s10 =	sld [smem:$0x3FAB];
	_ =	sdelay $0x3  }
0x36: {  	p1 =	seq.s32 s10, $0x1;
	s10 =	sld [smem:$0x3FAC];
	_ =	sdelay $0x3  }
0x37: {  	[smem:$0x3FAC] =	sst s10  }
0x38: {  	s10 =	sld [smem:$0x3FAD]  }
0x39: {  	_ = 	snop;
	(pc) =	sbr.ind lr, $3  }
0x3a: {  	_ = 	snop  }
0x3b: {  	_ = 	snop  }
0x3c: {  	p2 =	seq.s32 s10, $0x1;
	s10 =	sld [smem:$0x3FAC]  }
0x3d: {  	_ =	shalt  }
0x3e: {  	_ =	shalt  }
0x3f: {  	_ =	shalt  }
0x40: {  	_ =	shalt  }
0x41: {  	_ =	shalt  }
0x42: {  	_ =	shalt  }
0x43: {  	_ =	shalt  }
0x44: {  	_ =	shalt  }
0x45: {  	_ =	shalt  }
0x46: {  	_ =	shalt  }
0x47: {  	_ =	shalt  }
0x48: {  	_ =	shalt  }
0x49: {  	_ =	shalt  }
0x4a: {  	_ =	shalt  }
0x4b: {  	_ =	shalt  }
0x4c: {  	_ =	shalt  }
0x4d: {  	_ =	shalt  }
0x4e: {  	_ =	shalt  }
0x4f: {  	_ =	shalt  }
0x50: {  	_ =	shalt  }
0x51: {  	_ =	shalt  }
0x52: {  	_ =	shalt  }
0x53: {  	_ =	shalt  }
0x54: {  	_ =	shalt  }
0x55: {  	_ =	shalt  }
0x56: {  	_ =	shalt  }
0x57: {  	_ =	shalt  }
0x58: {  	_ =	shalt  }
0x59: {  	_ =	shalt  }
0x5a: {  	_ =	shalt  }
0x5b: {  	_ =	shalt  }
0x5c: {  	_ =	shalt  }
0x5d: {  	_ =	shalt  }
0x5e: {  	_ =	shalt  }
0x5f: {  	_ =	shalt  }
0x60: {  	_ =	shalt  }
0x61: {  	_ =	shalt  }
0x62: {  	_ =	shalt  }
0x63: {  	_ =	shalt  }
0x64: {  	_ =	shalt  }
0x65: {  	_ =	shalt  }
0x66: {  	_ =	shalt  }
0x67: {  	_ =	shalt  }
0x68: {  	_ =	shalt  }
0x69: {  	_ =	shalt  }
0x6a: {  	_ =	shalt  }
0x6b: {  	_ =	shalt  }
0x6c: {  	_ =	shalt  }
0x6d: {  	_ =	shalt  }
0x6e: {  	_ =	shalt  }
0x6f: {  	_ =	shalt  }
0x70: {  	_ =	shalt  }
0x71: {  	_ =	shalt  }
0x72: {  	_ =	shalt  }
0x73: {  	_ =	shalt  }
0x74: {  	_ =	shalt  }
0x75: {  	_ =	shalt  }
0x76: {  	_ =	shalt  }
0x77: {  	_ =	shalt  }
0x78: {  	_ =	shalt  }
0x79: {  	_ =	shalt  }
0x7a: {  	_ =	shalt  }
0x7b: {  	_ =	shalt  }
0x7c: {  	_ =	shalt  }
0x7d: {  	_ =	shalt  }
0x7e: {  	_ =	shalt  }
0x7f: {  	_ =	shalt  }
0x80: {  	_ =	shalt  }
0x81: {  	_ =	shalt  }
0x82: {  	_ =	shalt  }
0x83: {  	_ =	shalt  }
0x84: {  	_ =	shalt  }
0x85: {  	_ =	shalt  }
0x86: {  	_ =	shalt  }
0x87: {  	_ =	shalt  }
.Lfunc_end0:
.L_simem_size_0:
called_computation_lowered:
.L_overlay_start_0:
0x88: {  	s2 =	sld [smem:$0x3FD9]  }
0x89: {  	s3 =	sld [smem:$0x3FFE];
	_ =	sdelay $0x1  }
0x8a: {  	s1 =	srdreg.scid  }
0x8b: {  	s0 =	sand.u32 $0x1, s1  }
0x8c: {  	s17 =	sshll.u32 s0, $0xA;
	s2 =	sadd.s32 s3, s2  }
0x8d: {  	s2 =	sadd.s32 s2, s17  }
0x8e: {  	[smem:$0x3FB8] =	sst s2  }
0x8f: {  	_ = 	snop  }
0x90: {  	s2 =	sld [smem:$0x3FC9];
	(tm) =	ssettm $0x1  }
0x91: {  	s18 =	sld [smem:$0x3FFB];
	_ =	sdelay $0x3  }
0x92: {  	_ =	strace s18  }
0x93: {  	s3 =	sld [smem:$0x3FFC];
	_ =	sdelay $0x3  }
0x94: {  	_ =	strace s3  }
0x95: {  	s3 =	sld [smem:$0x3FFD];
	_ =	sdelay $0x3  }
0x96: {  	_ =	strace s3  }
0x97: {  	_ =	strace $0x8FFFFFFF  }
0x98: {  	s19 =	sld [smem:$0x3FDB];
	_ =	sdelay $0x1  }
0x99: {  	s4 =	simm.s32 $_scs_section_size  }
0x9a: {  	s5 =	simm.s32 $_size__tile_overlayer_lowered;
	s6 =	simm.s32 $_tile_overlayer_lowered  }
0x9b: {  	s22 =	simm.s32 $0x1BFF;
	s21 =	sshll.u32 s6, $0x1;
	s3 =	sadd.s32 s4, s19  }
0x9c: {  	s7 =	simm.s32 $0x0;
	s20 =	sshll.u32 s5, $0x1;
	s5 =	sadd.s32 s21, s3  }
0x9d: {  	[timem:s7], [sflag:s22] =	dma.local [hbm:s5], s20  }
0x9e: {  	_ =	swait.ge [sflag:s22], s20  }
0x9f: {  	s4 =	ssub.s32 $0x0, s20;
	[sflag:s22] =	ssyncset.done $0x0  }
0xa0: {  	[sflag:s22] =	ssyncadd.s32 s4;
	_ =	sdelay $0x1  }
0xa1: {  	s23 =	simm.s32 $0x1B8B  }
0xa2: {  	_ =	swait.ge [sflag:s23], $0x1  }
0xa3: {  	[sflag:s23] =	ssyncset.done $0x0  }
0xa4: {  	s25 =	simm.s32 $0x1B8E;
	s24 =	sld [smem:$0x3FFE];
	[sflag:s23] =	ssyncadd.s32 $0xFFFFFFFF  }
0xa5: {  	s26 =	simm.s32 $execute0_lowered;
	[smem:$0x3FD2] =	sst s25  }
0xa6: {  	s5 =	sshll.u32 s26, $0x1;
	_ =	strace $0x80000046;
	[dreg:$0x1] =	wrdreg $0xFFFFFFFF  }
0xa7: {  	s28 =	simm.s32 $_size_execute0_lowered;
	s3 =	sadd.s32 s3, s5;
	[dreg:$0x0] =	wrdreg $0x0  }
0xa8: {  	s5 =	sshll.u32 s28, $0x1;
	[dreg:$0x2] =	wrdreg s3  }
0xa9: {  	[dreg:$0x3] =	wrdreg s5  }
0xaa: {  	[dreg:$0x4] =	wrdreg $0xC0  }
0xab: {  	_ =	task [dreg:s7], $0x5FFFF  }
0xac: {  	[dreg:$0x1] =	wrdreg $0xFFFFFFFF  }
0xad: {  	[dreg:$0x0] =	wrdreg $0x60  }
0xae: {  	[dreg:$0x2] =	wrdreg s2  }
0xaf: {  	[dreg:$0x3] =	wrdreg s24  }
0xb0: {  	[dreg:$0x4] =	wrdreg $0xA8000  }
0xb1: {  	[dreg:$0x5] =	wrdreg $0x9  }
0xb2: {  	_ =	task.clear_ibuf [dreg:s7], $0x6FFFF;
	_ =	strace $0x90000046  }
0xb3: {  	s29 =	simm.s32 $0x9;
	_ =	strace $0x80000048  }
0xb4: {  	_ =	swait.ge [sflag:s29], $0x1  }
0xb5: {  	[sflag:s29] =	ssyncadd.s32 $0xFFFFFFFF  }
0xb6: {  	_ =	strace $0x90000048  }
0xb7: {  	_ =	sfence  }
0xb8: {  	s30 =	sld [smem:$0x0];
	_ =	sdelay $0x2  }
0xb9: {  	s31 =	sshll.u32 s1, $0xD;
	s1 =	sshrl.u32 s1, $0x2  }
0xba: {  	s3 =	sand.u32 $0x4000, s31;
	s1 =	sadd.s32 s1, s30  }
0xbb: {  	s0 =	sor.u32 s3, s0;
	s1 =	sshll.u32 s1, $0x11  }
0xbc: {  	s0 =	sor.u32 s1, s0  }
0xbd: {  	s0 =	sadd.s32 $0x8F2B, s0  }
0xbe: {  	[sflag:s0] =	ssyncadd.remote.s32 $0x1  }
0xbf: {  	_ =	sfence.sel $0xFFFF  }
0xc0: {  	[dreg:$0x0] =	wrdreg $0xFFFFFFFF;
	(pc) =	sbr.abs _section_cstart, $3  }
0xc1: {  	[dreg:$0x1] =	wrdreg $0xFFFFFFFF  }
0xc2: {  	_ =	task.clear_ibuf [dreg:s7], $0x2FFFF;
	_ =	strace $0x9FFFFFFF  }
0xc3: {  	(tm) =	ssettm $0x7FFFFFFF  }
tec
execute0_lowered:
.L_overlay_start_1:
0x0: {  	(tag) =	ssettag $0x1  }
0x1: {  	s0 =	rddreg [dreg:$0x0]  }
0x2: {  	s1 =	rddreg [dreg:$0x1]  }
0x3: {  	s2 =	srdreg.scid;
	s3 =	rddreg [dreg:$0x2]  }
0x4: {  	s25 =	stileid.u32;
	s4 =	simm.s32 $0x0;
	s15 =	simm.s32 $0x2800  }
0x5: {  	s16 =	simm.s32 $0x5;
	s17 =	simm.s32 $0x1400;
	s18 =	simm.s32 $0x80  }
0x6: {  	s19 =	simm.s32 $0x6800;
	s20 =	simm.s32 $0x1;
	s21 =	simm.s32 $0x3  }
0x7: {  	s22 =	simm.s32 $0x100;
	s23 =	simm.s32 $0x2;
	s24 =	simm.s32 $0x1480  }
0x8: {  	s28 =	simm.s32 $0x2700;
	s29 =	simm.s32 $0x2780;
	s30 =	simm.s32 $0x0  }
0x9: {  	s7 =	sand.u32 $0x1, s2;
	s8 =	smul.u32 $0x14000, s25;
	[smem:$0x7FF] =	sst s4  }
0xa: {  	s5 =	sadd.s32 $0xC600, s1;
	s9 =	smul.u32 $0x50000, s25;
	s10 =	sshll.u32 s25, $0x1  }
0xb: {  	s25 =	simm.s32 $0x4;
	s6 =	smul.u32 $0x140000, s7;
	s26 =	ssub.s32 $0x2, s7  }
0xc: {  	_ =	strace $0x80000047;
	s10 =	sor.u32 s7, s10;
	s11 =	sshrl.u32 s26, $0x1  }
0xd: {  	s31 =	sshrl.u32 s9, $0x2;
	s8 =	sadd.s32 s8, s6;
	s6 =	sadd.s32 $0x2600, s1  }
0xe: {  	s11 =	ssub.s32 s26, s11;
	s7 =	sadd.s32 s31, s3;
	s26 =	simm.s32 $0x1380  }
0xf: {  	s8 =	sshrl.u32 s8, $0x3;
	s12 =	sadd.s32 $0x8000, s7;
	s13 =	sadd.s32 $0xC000, s7  }
0x10: {  	s14 =	sadd.s32 $0x10000, s7;
	s1 =	sadd.s32 s8, s1;
	s8 =	smul.u32 $0x2800, s10  }
0x11: {  	v0 =	vimm.f32 $0.0e+00;
	s10 =	smax.u32 s11, $0x1;
	s11 =	sadd.s32 $0x4000, s7;
	s9 =	sadd.s32 $0x16600, s1  }
.LBB2_1:
0x12: {  	s31 =	simm.s32 $0x0;
	s1 =	simm.s32 $0x200  }
.LBB2_2:
0x13: {  	p0 =	sne.s32 s1, $0xFE00;
	[tilespmem:s31+$0x2870] =	vst v0  }
0x14: {  	[tilespmem:s31+$0x2800] =	vst v0  }
0x15: {  	[tilespmem:s31+$0x2810] =	vst v0  }
.Ltmp0:
0x16: {  	[tilespmem:s31+$0x2820] =	vst v0;
	(pc) =	sbr.rel @p0 .LBB2_2-.Ltmp0, $4  }
0x17: {  	[tilespmem:s31+$0x2830] =	vst v0  }
0x18: {  	[tilespmem:s31+$0x2840] =	vst v0  }
0x19: {  	[tilespmem:s31+$0x2850] =	vst v0  }
0x1a: {  	[tilespmem:s31+$0x2860] =	vst v0;
	s31 =	sshra.s32 s1, $0x2;
	s1 =	sadd.s32 $0x200, s1  }
0x1b: {  	[tilespmem:s31+$0x2870] =	vst v0  }
0x1c: {  	[tilespmem:s31+$0x2800] =	vst v0  }
0x1d: {  	[tilespmem:s31+$0x2810] =	vst v0  }
0x1e: {  	[tilespmem:s31+$0x2820] =	vst v0  }
0x1f: {  	[tilespmem:s31+$0x2830] =	vst v0  }
0x20: {  	[tilespmem:s31+$0x2840] =	vst v0  }
0x21: {  	[tilespmem:s31+$0x2850] =	vst v0  }
0x22: {  	[tilespmem:s31+$0x2860] =	vst v0  }
0x23: {  	[spmem:s7] =	stream.linear.scatter [tilespmem:s15], [sflag:$0x5], $0x4000, $0x38;
	[tilespmem:$0x1E800] =	vst v63  }
0x24: {  	_ =	swait.ge [sflag:s16], $0x4000  }
0x25: {  	[sflag:s16] =	ssyncset.done $0x0  }
0x26: {  	[sflag:s16] =	ssyncadd.s32 $0xFFFFC000  }
0x27: {  	[spmem:s11] =	stream.linear.scatter [tilespmem:s15], [sflag:$0x5], $0x4000, $0x38;
	[tilespmem:$0x1E800] =	vst v63  }
0x28: {  	_ =	swait.ge [sflag:s16], $0x4000  }
0x29: {  	[sflag:s16] =	ssyncset.done $0x0  }
0x2a: {  	[sflag:s16] =	ssyncadd.s32 $0xFFFFC000  }
0x2b: {  	[spmem:s12] =	stream.linear.scatter [tilespmem:s15], [sflag:$0x5], $0x4000, $0x38;
	[tilespmem:$0x1E800] =	vst v63  }
0x2c: {  	_ =	swait.ge [sflag:s16], $0x4000  }
0x2d: {  	[sflag:s16] =	ssyncset.done $0x0  }
0x2e: {  	[sflag:s16] =	ssyncadd.s32 $0xFFFFC000  }
0x2f: {  	[spmem:s13] =	stream.linear.scatter [tilespmem:s15], [sflag:$0x5], $0x4000, $0x38;
	[tilespmem:$0x1E800] =	vst v63  }
0x30: {  	_ =	swait.ge [sflag:s16], $0x4000  }
0x31: {  	[sflag:s16] =	ssyncset.done $0x0  }
0x32: {  	[sflag:s16] =	ssyncadd.s32 $0xFFFFC000  }
0x33: {  	[spmem:s14] =	stream.linear.scatter [tilespmem:s15], [sflag:$0x5], $0x4000, $0x38;
	[tilespmem:$0x1E800] =	vst v63  }
0x34: {  	_ =	swait.ge [sflag:s16], $0x4000  }
0x35: {  	[sflag:s16] =	ssyncset.done $0x0  }
0x36: {  	[sflag:s16] =	ssyncadd.s32 $0xFFFFC000  }
0x37: {  	s1 =	simm.s32 $0x0;
	p1 =	por $0x1, $0x1;
	[bflag:$0x0] =	sbarrier.arrive $0xFFFF  }
.LBB2_4:
0x38: {  	s1 =	sadd.s32 s8, s1  }
0x39: {  	s1 =	sshrl.u32 s1, $0x3  }
0x3a: {  	s31 =	sadd.s32 s5, s1  }
0x3b: {  	[tilespmem:s4], [sflag:$0x5] =	stream.linear.gather [hbm4b:s31+s4], $0x1400, $0x38;
	[tilespmem:$0x1E800] =	vst v63  }
0x3c: {  	_ =	swait.ge [sflag:s16], $0x1400  }
0x3d: {  	[sflag:s16] =	ssyncset.done $0x0  }
0x3e: {  	s1 =	sadd.s32 s6, s1;
	[sflag:s16] =	ssyncadd.s32 $0xFFFFEC00  }
0x3f: {  	[tilespmem:s17], [sflag:$0x5] =	stream.linear.gather [hbm4b:s1+s4], $0x1400, $0x38;
	[tilespmem:$0x1E800] =	vst v63  }
0x40: {  	_ =	swait.ge [sflag:s16], $0x1400  }
0x41: {  	[sflag:s16] =	ssyncset.done $0x0  }
0x42: {  	[sflag:s16] =	ssyncadd.s32 $0xFFFFEC00  }
0x43: {  	[tilespmem:s15], [sflag:$0x1] =	stream.indirect.gather [hbm4b:s0+s18], $0x80, s4, s18, $0xb8;
	[tilespmem:$0x1E800] =	vst v63  }
0x44: {  	_ = 	snop  }
0x45: {  	[tilespmem:s19], [sflag:$0x2] =	stream.indirect.gather [hbm4b:s0+s18], $0x80, s18, s18, $0xb8;
	[tilespmem:$0x1E800] =	vst v63  }
0x46: {  	_ =	swait.ge [sflag:s20], $0x4000  }
0x47: {  	[sflag:s20] =	ssyncset.done $0x0  }
0x48: {  	[sflag:s20] =	ssyncadd.s32 $0xFFFFC000  }
0x49: {  	[spmem:s3] =	stream.indirect.scatter.add.f32 [tilespmem:s15], [sflag:$0x3], $0x80, s17, s18, $0xb8;
	[tilespmem:$0x1E800] =	vst v63  }
0x4a: {  	_ =	swait.ge [sflag:s21], $0x4000  }
0x4b: {  	[sflag:s21] =	ssyncset.done $0x0  }
0x4c: {  	[sflag:s21] =	ssyncadd.s32 $0xFFFFC000  }
0x4d: {  	[tilespmem:s15], [sflag:$0x1] =	stream.indirect.gather [hbm4b:s0+s18], $0x80, s22, s18, $0xb8;
	[tilespmem:$0x1E800] =	vst v63  }
0x4e: {  	_ =	swait.ge [sflag:s23], $0x4000  }
0x4f: {  	[sflag:s23] =	ssyncset.done $0x0  }
0x50: {  	[sflag:s23] =	ssyncadd.s32 $0xFFFFC000  }
0x51: {  	[spmem:s3] =	stream.indirect.scatter.add.f32 [tilespmem:s19], [sflag:$0x4], $0x80, s24, s18, $0xb8;
	[tilespmem:$0x1E800] =	vst v63  }
0x52: {  	_ =	swait.ge [sflag:s25], $0x4000  }
0x53: {  	[sflag:s25] =	ssyncset.done $0x0  }
0x54: {  	s2 =	simm.s32 $0x180;
	[sflag:s25] =	ssyncadd.s32 $0xFFFFC000  }
0x55: {  	[tilespmem:s19], [sflag:$0x2] =	stream.indirect.gather [hbm4b:s0+s18], $0x80, s2, s18, $0xb8;
	[tilespmem:$0x1E800] =	vst v63  }
0x56: {  	_ =	swait.ge [sflag:s20], $0x4000  }
0x57: {  	[sflag:s20] =	ssyncset.done $0x0  }
0x58: {  	s2 =	simm.s32 $0x1500;
	[sflag:s20] =	ssyncadd.s32 $0xFFFFC000  }
0x59: {  	[spmem:s3] =	stream.indirect.scatter.add.f32 [tilespmem:s15], [sflag:$0x3], $0x80, s2, s18, $0xb8;
	[tilespmem:$0x1E800] =	vst v63  }
0x5a: {  	_ =	swait.ge [sflag:s21], $0x4000  }
0x5b: {  	[sflag:s21] =	ssyncset.done $0x0  }
0x5c: {  	s2 =	simm.s32 $0x200;
	[sflag:s21] =	ssyncadd.s32 $0xFFFFC000  }
0x5d: {  	[tilespmem:s15], [sflag:$0x1] =	stream.indirect.gather [hbm4b:s0+s18], $0x80, s2, s18, $0xb8;
	[tilespmem:$0x1E800] =	vst v63  }
0x5e: {  	_ =	swait.ge [sflag:s23], $0x4000  }
0x5f: {  	p0 =	por p1, p1;
	[sflag:s23] =	ssyncset.done $0x0  }
0x60: {  	s31 =	simm.s32 $0xFFFFBC00;
	s1 =	simm.s32 $0x1580;
	[sflag:s23] =	ssyncadd.s32 $0xFFFFC000  }
.LBB2_5:
0x61: {  	[spmem:s3] =	stream.indirect.scatter.add.f32 [tilespmem:s19], [sflag:$0x4], $0x80, s1, s18, $0xb8;
	[tilespmem:$0x1E800] =	vst v63  }
0x62: {  	s1 =	smov.u32 s31  }
0x63: {  	p1 =	sne.s32 s31, $0xFFFFFC00;
	s31 =	sadd.s32 $0x400, s31;
	_ =	swait.ge [sflag:s25], $0x4000  }
0x64: {  	s1 =	sshra.s32 s1, $0x2;
	[sflag:s25] =	ssyncset.done $0x0  }
0x65: {  	s2 =	sadd.s32 $0x1380, s1;
	[sflag:s25] =	ssyncadd.s32 $0xFFFFC000  }
0x66: {  	[tilespmem:s19], [sflag:$0x2] =	stream.indirect.gather [hbm4b:s0+s18], $0x80, s2, s18, $0xb8;
	[tilespmem:$0x1E800] =	vst v63  }
0x67: {  	_ =	swait.ge [sflag:s20], $0x4000  }
0x68: {  	[sflag:s20] =	ssyncset.done $0x0  }
0x69: {  	s2 =	sadd.s32 $0x2700, s1;
	[sflag:s20] =	ssyncadd.s32 $0xFFFFC000  }
0x6a: {  	[spmem:s3] =	stream.indirect.scatter.add.f32 [tilespmem:s15], [sflag:$0x3], $0x80, s2, s18, $0xb8;
	[tilespmem:$0x1E800] =	vst v63  }
0x6b: {  	_ =	swait.ge [sflag:s21], $0x4000  }
0x6c: {  	[sflag:s21] =	ssyncset.done $0x0  }
.Ltmp1:
0x6d: {  	s2 =	sadd.s32 $0x1400, s1;
	[sflag:s21] =	ssyncadd.s32 $0xFFFFC000;
	(pc) =	sbr.rel @p1 .LBB2_5-.Ltmp1, $4  }
0x6e: {  	[tilespmem:s15], [sflag:$0x1] =	stream.indirect.gather [hbm4b:s0+s18], $0x80, s2, s18, $0xb8;
	[tilespmem:$0x1E800] =	vst v63  }
0x6f: {  	_ =	swait.ge [sflag:s23], $0x4000  }
0x70: {  	[sflag:s23] =	ssyncset.done $0x0  }
0x71: {  	s1 =	sadd.s32 $0x2780, s1;
	[sflag:s23] =	ssyncadd.s32 $0xFFFFC000  }
0x72: {  	[spmem:s3] =	stream.indirect.scatter.add.f32 [tilespmem:s19], [sflag:$0x4], $0x80, s1, s18, $0xb8;
	[tilespmem:$0x1E800] =	vst v63  }
0x73: {  	_ =	swait.ge [sflag:s25], $0x4000  }
0x74: {  	[sflag:s25] =	ssyncset.done $0x0  }
0x75: {  	[sflag:s25] =	ssyncadd.s32 $0xFFFFC000  }
0x76: {  	[tilespmem:s19], [sflag:$0x2] =	stream.indirect.gather [hbm4b:s0+s18], $0x80, s26, s18, $0xb8;
	[tilespmem:$0x1E800] =	vst v63  }
0x77: {  	_ =	swait.ge [sflag:s20], $0x4000  }
0x78: {  	[sflag:s20] =	ssyncset.done $0x0  }
0x79: {  	[sflag:s20] =	ssyncadd.s32 $0xFFFFC000  }
0x7a: {  	[spmem:s3] =	stream.indirect.scatter.add.f32 [tilespmem:s15], [sflag:$0x3], $0x80, s28, s18, $0xb8;
	[tilespmem:$0x1E800] =	vst v63  }
0x7b: {  	_ =	swait.ge [sflag:s21], $0x4000  }
0x7c: {  	[sflag:s21] =	ssyncset.done $0x0  }
0x7d: {  	[sflag:s21] =	ssyncadd.s32 $0xFFFFC000  }
0x7e: {  	_ =	swait.ge [sflag:s23], $0x4000  }
0x7f: {  	[sflag:s23] =	ssyncset.done $0x0  }
.Ltmp2:
0x80: {  	[sflag:s23] =	ssyncadd.s32 $0xFFFFC000;
	(pc) =	sbr.rel @p0 .LBB2_4-.Ltmp2, $4  }
0x81: {  	[spmem:s3] =	stream.indirect.scatter.add.f32 [tilespmem:s19], [sflag:$0x4], $0x80, s29, s18, $0xb8;
	[tilespmem:$0x1E800] =	vst v63  }
0x82: {  	_ =	swait.ge [sflag:s25], $0x4000  }
0x83: {  	[sflag:s25] =	ssyncset.done $0x0  }
0x84: {  	s1 =	simm.s32 $0x1400;
	p1 =	por $0x0, $0x0;
	[sflag:s25] =	ssyncadd.s32 $0xFFFFC000  }
0x85: {  	s1 =	stileid.u32;
	s30 =	sadd.s32 $0x1, s30  }
0x86: {  	[bflag:$0x0] =	sbarrier.arrive $0xFFFF;
	s1 =	sshll.u32 s1, $0x6;
	p0 =	sne.s32 s30, s10  }
.Ltmp3:
0x87: {  	s2 =	sshrl.u32 s7, $0x3;
	s1 =	sor.u32 $0x1C05, s1;
	(pc) =	sbr.rel @p0 .LBB2_1-.Ltmp3, $4  }
0x88: {  	[hbm:s9], [sflag:s1] =	dma.local [spmem:s2], $0x2800  }
0x89: {  	_ =	swait.ge [sflag:s16], $0x2800  }
0x8a: {  	[sflag:s16] =	ssyncset.done $0x0  }
0x8b: {  	[sflag:s16] =	ssyncadd.s32 $0xFFFFD800  }
0x8c: {  	_ =	sfence.sel $0x180000  }
0x8d: {  	[bflag:$0x0] =	sbarrier.arrive $0xFFFF  }
0x8e: {  	_ =	strace $0x90000047  }
0x8f: {  	s0 =	stileid.u32;
	[bflag:$0x2] =	sbarrier.arrive $0xFFFF  }
0x90: {  	p0 =	sne.s32 s0, $0x0;
	s0 =	rddreg [dreg:$0x3]  }
0x91: {  	s0 =	sadd.s32 @!p0 $0x100000, s0  }
0x92: {  	[sflag:s0] =	ssyncadd.tile.s32 @!p0 $0x1;
	_ =	shalt  }
.Lfunc_end2:
_tile_overlayer_lowered:
.L_overlay_start_2:
0x93: {  	(tag) =	ssettag $0x2  }
0x94: {  	s0 =	rddreg [dreg:$0x0];
	s2 =	stileid.u32  }
0x95: {  	s1 =	rddreg [dreg:$0x1];
	p0 =	sne.s32 s2, $0x0  }
0x96: {  	s3 =	rddreg [dreg:$0x2];
	[bflag:$0x3] =	sbarrier.arrive $0xFFFF;
	s2 =	simm.s32 @!p0 $0x1C05  }
0x97: {  	[timem:s3], [sflag:s2] =	dma.local @!p0 [hbm:s0], s1  }
0x98: {  	s0 =	simm.s32 @!p0 $0x5  }
0x99: {  	_ =	swait.ge @!p0 [sflag:s0], s1  }
0x9a: {  	s1 =	ssub.s32 @!p0 $0x0, s1;
	[sflag:s0] =	ssyncset.done @!p0 $0x0  }
0x9b: {  	[sflag:s0] =	ssyncadd.s32 @!p0 s1  }
0x9c: {  	[bflag:$0x3] =	sbarrier.arrive $0xFFFF  }
0x9d: {  	_ =	shalt  }

// kernel: kernel.9.cloned.1.call-start
scs
__scs_entry_jumppad:
0x0: {  	(pc) =	sbr.rel $0x88, $3  }
0x1: {  	(tag) =	ssettag $0x0;
	lr =	simm.s32 $0x1  }
0x2: {  	[smem:$0x3F91] =	sst lr;
	_ =	strace $0xD0000000  }
0x3: {  	_ = 	snop  }
0x4: {  	_ = 	snop  }
0x5: {  	_ = 	snop  }
0x6: {  	_ = 	snop  }
0x7: {  	_ = 	snop  }
__scs_overlays_trampoline_lowered:
0x8: {  	[smem:$0x3FA0] =	sst s0  }
0x9: {  	[smem:$0x3FA1] =	sst s1  }
0xa: {  	[smem:$0x3FA2] =	sst s2  }
0xb: {  	[smem:$0x3FA3] =	sst s3  }
0xc: {  	[smem:$0x3FA4] =	sst s4  }
0xd: {  	[smem:$0x3FA5] =	sst s5  }
0xe: {  	[smem:$0x3FA6] =	sst s6  }
0xf: {  	[smem:$0x3FA7] =	sst s7  }
0x10: {  	[smem:$0x3FA8] =	sst s8  }
0x11: {  	[smem:$0x3FA9] =	sst s9;
	s0 =	simm.s32 @!p0 $0x0  }
0x12: {  	s1 =	sld [smem:$0x3F8F];
	s0 =	simm.s32 @p0 $0x1  }
0x13: {  	[smem:$0x3FAA] =	sst s0;
	s0 =	simm.s32 @!p1 $0x0  }
0x14: {  	s2 =	sld [smem:$0x3F8E];
	s0 =	simm.s32 @p1 $0x1  }
0x15: {  	[smem:$0x3FAB] =	sst s0;
	s0 =	simm.s32 @!p2 $0x0  }
0x16: {  	s3 =	sld [smem:$0x3FDB];
	s0 =	simm.s32 @p2 $0x1  }
0x17: {  	s4 =	simm.s32 $0x1BF5;
	[smem:$0x3FAD] =	sst s0  }
0x18: {  	s0 =	sld [smem:$0x3F90];
	_ =	swait.ge [sflag:s4], $0x0  }
0x19: {  	s7 =	sld [smem:$0x3F91]  }
0x1a: {  	s8 =	sadd.s32 $0xFFFFE003, lr  }
0x1b: {  	s9 =	sadd.s32 $0xFFFFFEF7, lr;
	s5 =	simm.s32 $0xFFFFFFFF;
	p2 =	slt.u32 s8, $0xFFFFF086  }
0x1c: {  	p1 =	slt.u32 s9, $0xF7A;
	s5 =	simm.s32 @!p2 $0x0  }
0x1d: {  	s5 =	simm.s32 @p1 $0x1;
	p0 =	seq.s32 s7, s2  }
0x1e: {  	s7 =	smul.u32 @!p0 $0xF7A, s2;
	p2 =	seq.s32 @!p0 s5, $0x0  }
0x1f: {  	s9 =	smul.u32 $0xF7A, s1;
	s8 =	simm.s32 @!p0 $0x1BF5;
	p2 =	por !p2, p0  }
0x20: {  	[sflag:s8] =	ssyncset.s32 @!p0 $0xFFFFF086;
	s6 =	sadd.s32 @!p0 s3, s7;
	s7 =	simm.s32 @!p0 $0x108  }
0x21: {  	s3 =	sadd.s32 s3, s9;
	s6 =	sadd.s32 @!p0 $0x88, s6;
	s7 =	simm.s32 @p2 $0x1082  }
0x22: {  	[simem:s7], [sflag:s8] =	dma.local @!p0 [hbm:s6], $0xF7A  }
0x23: {  	s9 =	sor.u32 $0xD0000000, s2;
	s6 =	simm.s32 $0x108;
	_ =	swait.ge @!p0 [sflag:s8], $0x0  }
0x24: {  	s3 =	sadd.s32 $0x88, s3;
	s6 =	simm.s32 @!p1 $0x1082;
	[sflag:s4] =	ssyncset.s32 $0xFFFFF086  }
0x25: {  	[simem:s6], [sflag:s4] =	dma.local [hbm:s3], $0xF7A  }
0x26: {  	[smem:$0x3F91] =	sst s1;
	(tag) =	ssettag s2;
	_ =	strace s9  }
0x27: {  	s1 =	sld [smem:$0x3FA1]  }
0x28: {  	s2 =	sld [smem:$0x3FA2]  }
0x29: {  	s4 =	sld [smem:$0x3FA4]  }
0x2a: {  	p0 =	seq.s32 s5, $0x0;
	s5 =	sld [smem:$0x3FA5]  }
0x2b: {  	s6 =	sld [smem:$0x3FA6]  }
0x2c: {  	s7 =	sld [smem:$0x3FA7]  }
0x2d: {  	s3 =	simm.s32 $0x108;
	s8 =	sld [smem:$0x3FA8]  }
0x2e: {  	s3 =	simm.s32 @!p0 $0x1082;
	s9 =	sld [smem:$0x3FA9]  }
0x2f: {  	lr =	sadd.s32 s0, s3;
	s0 =	sld [smem:$0x3FA0]  }
0x30: {  	s3 =	sld [smem:$0x3FA3]  }
0x31: {  	[smem:$0x3FAC] =	sst s10  }
0x32: {  	s10 =	sld [smem:$0x3FAA];
	_ =	sdelay $0x3  }
0x33: {  	p0 =	seq.s32 s10, $0x1;
	s10 =	sld [smem:$0x3FAC];
	_ =	sdelay $0x3  }
0x34: {  	[smem:$0x3FAC] =	sst s10  }
0x35: {  	s10 =	sld [smem:$0x3FAB];
	_ =	sdelay $0x3  }
0x36: {  	p1 =	seq.s32 s10, $0x1;
	s10 =	sld [smem:$0x3FAC];
	_ =	sdelay $0x3  }
0x37: {  	[smem:$0x3FAC] =	sst s10  }
0x38: {  	s10 =	sld [smem:$0x3FAD]  }
0x39: {  	_ = 	snop;
	(pc) =	sbr.ind lr, $3  }
0x3a: {  	_ = 	snop  }
0x3b: {  	_ = 	snop  }
0x3c: {  	p2 =	seq.s32 s10, $0x1;
	s10 =	sld [smem:$0x3FAC]  }
0x3d: {  	_ =	shalt  }
0x3e: {  	_ =	shalt  }
0x3f: {  	_ =	shalt  }
0x40: {  	_ =	shalt  }
0x41: {  	_ =	shalt  }
0x42: {  	_ =	shalt  }
0x43: {  	_ =	shalt  }
0x44: {  	_ =	shalt  }
0x45: {  	_ =	shalt  }
0x46: {  	_ =	shalt  }
0x47: {  	_ =	shalt  }
0x48: {  	_ =	shalt  }
0x49: {  	_ =	shalt  }
0x4a: {  	_ =	shalt  }
0x4b: {  	_ =	shalt  }
0x4c: {  	_ =	shalt  }
0x4d: {  	_ =	shalt  }
0x4e: {  	_ =	shalt  }
0x4f: {  	_ =	shalt  }
0x50: {  	_ =	shalt  }
0x51: {  	_ =	shalt  }
0x52: {  	_ =	shalt  }
0x53: {  	_ =	shalt  }
0x54: {  	_ =	shalt  }
0x55: {  	_ =	shalt  }
0x56: {  	_ =	shalt  }
0x57: {  	_ =	shalt  }
0x58: {  	_ =	shalt  }
0x59: {  	_ =	shalt  }
0x5a: {  	_ =	shalt  }
0x5b: {  	_ =	shalt  }
0x5c: {  	_ =	shalt  }
0x5d: {  	_ =	shalt  }
0x5e: {  	_ =	shalt  }
0x5f: {  	_ =	shalt  }
0x60: {  	_ =	shalt  }
0x61: {  	_ =	shalt  }
0x62: {  	_ =	shalt  }
0x63: {  	_ =	shalt  }
0x64: {  	_ =	shalt  }
0x65: {  	_ =	shalt  }
0x66: {  	_ =	shalt  }
0x67: {  	_ =	shalt  }
0x68: {  	_ =	shalt  }
0x69: {  	_ =	shalt  }
0x6a: {  	_ =	shalt  }
0x6b: {  	_ =	shalt  }
0x6c: {  	_ =	shalt  }
0x6d: {  	_ =	shalt  }
0x6e: {  	_ =	shalt  }
0x6f: {  	_ =	shalt  }
0x70: {  	_ =	shalt  }
0x71: {  	_ =	shalt  }
0x72: {  	_ =	shalt  }
0x73: {  	_ =	shalt  }
0x74: {  	_ =	shalt  }
0x75: {  	_ =	shalt  }
0x76: {  	_ =	shalt  }
0x77: {  	_ =	shalt  }
0x78: {  	_ =	shalt  }
0x79: {  	_ =	shalt  }
0x7a: {  	_ =	shalt  }
0x7b: {  	_ =	shalt  }
0x7c: {  	_ =	shalt  }
0x7d: {  	_ =	shalt  }
0x7e: {  	_ =	shalt  }
0x7f: {  	_ =	shalt  }
0x80: {  	_ =	shalt  }
0x81: {  	_ =	shalt  }
0x82: {  	_ =	shalt  }
0x83: {  	_ =	shalt  }
0x84: {  	_ =	shalt  }
0x85: {  	_ =	shalt  }
0x86: {  	_ =	shalt  }
0x87: {  	_ =	shalt  }
.Lfunc_end0:
.L_simem_size_0:
called_computation.1_lowered:
.L_overlay_start_0:
0x88: {  	s2 =	sld [smem:$0x3FD9]  }
0x89: {  	s3 =	sld [smem:$0x3FFE];
	_ =	sdelay $0x1  }
0x8a: {  	s1 =	srdreg.scid  }
0x8b: {  	s0 =	sand.u32 $0x1, s1  }
0x8c: {  	s16 =	sshll.u32 s0, $0xA;
	s2 =	sadd.s32 s3, s2  }
0x8d: {  	s2 =	sadd.s32 s2, s16  }
0x8e: {  	[smem:$0x3FB8] =	sst s2  }
0x8f: {  	_ = 	snop  }
0x90: {  	(tm) =	ssettm $0x1  }
0x91: {  	s17 =	sld [smem:$0x3FFB];
	_ =	sdelay $0x3  }
0x92: {  	_ =	strace s17  }
0x93: {  	s2 =	sld [smem:$0x3FFC];
	_ =	sdelay $0x3  }
0x94: {  	_ =	strace s2  }
0x95: {  	s2 =	sld [smem:$0x3FFD];
	_ =	sdelay $0x3  }
0x96: {  	_ =	strace s2  }
0x97: {  	_ =	strace $0x8FFFFFFF  }
0x98: {  	s18 =	sld [smem:$0x3FDB];
	_ =	sdelay $0x1  }
0x99: {  	s19 =	simm.s32 $_scs_section_size  }
0x9a: {  	s4 =	simm.s32 $_size__tile_overlayer_lowered;
	s5 =	simm.s32 $_tile_overlayer_lowered  }
0x9b: {  	s22 =	simm.s32 $0x1BFF;
	s21 =	sshll.u32 s5, $0x1;
	s2 =	sadd.s32 s19, s18  }
0x9c: {  	s6 =	simm.s32 $0x0;
	s20 =	sshll.u32 s4, $0x1;
	s4 =	sadd.s32 s21, s2  }
0x9d: {  	[timem:s6], [sflag:s22] =	dma.local [hbm:s4], s20  }
0x9e: {  	_ =	swait.ge [sflag:s22], s20  }
0x9f: {  	s3 =	ssub.s32 $0x0, s20;
	[sflag:s22] =	ssyncset.done $0x0  }
0xa0: {  	[sflag:s22] =	ssyncadd.s32 s3;
	_ =	sdelay $0x1  }
0xa1: {  	s23 =	simm.s32 $0x1B8B  }
0xa2: {  	_ =	swait.ge [sflag:s23], $0x1  }
0xa3: {  	[sflag:s23] =	ssyncset.done $0x0  }
0xa4: {  	s25 =	simm.s32 $0x1B8E;
	s24 =	sld [smem:$0x3FFE];
	[sflag:s23] =	ssyncadd.s32 $0xFFFFFFFF  }
0xa5: {  	s26 =	simm.s32 $execute0_lowered;
	[smem:$0x3FD2] =	sst s25  }
0xa6: {  	s4 =	sshll.u32 s26, $0x1;
	_ =	strace $0x80000049;
	[dreg:$0x1] =	wrdreg $0xFFFFFFFF  }
0xa7: {  	s28 =	simm.s32 $_size_execute0_lowered;
	s2 =	sadd.s32 s2, s4;
	[dreg:$0x0] =	wrdreg $0x0  }
0xa8: {  	s4 =	sshll.u32 s28, $0x1;
	[dreg:$0x2] =	wrdreg s2  }
0xa9: {  	[dreg:$0x3] =	wrdreg s4  }
0xaa: {  	[dreg:$0x4] =	wrdreg $0xC0  }
0xab: {  	_ =	task [dreg:s6], $0x5FFFF  }
0xac: {  	[dreg:$0x1] =	wrdreg $0xFFFFFFFF  }
0xad: {  	[dreg:$0x0] =	wrdreg $0x60  }
0xae: {  	[dreg:$0x2] =	wrdreg s24  }
0xaf: {  	[dreg:$0x3] =	wrdreg $0xA8000  }
0xb0: {  	[dreg:$0x4] =	wrdreg $0x9  }
0xb1: {  	_ =	task.clear_ibuf [dreg:s6], $0x5FFFF;
	_ =	strace $0x90000049  }
0xb2: {  	s29 =	simm.s32 $0x9;
	_ =	strace $0x8000004B  }
0xb3: {  	_ =	swait.ge [sflag:s29], $0x1  }
0xb4: {  	[sflag:s29] =	ssyncadd.s32 $0xFFFFFFFF  }
0xb5: {  	_ =	strace $0x9000004B  }
0xb6: {  	_ =	sfence  }
0xb7: {  	s30 =	sld [smem:$0x0];
	_ =	sdelay $0x2  }
0xb8: {  	s31 =	sshll.u32 s1, $0xD;
	s1 =	sshrl.u32 s1, $0x2  }
0xb9: {  	s3 =	sand.u32 $0x4000, s31;
	s1 =	sadd.s32 s1, s30  }
0xba: {  	s0 =	sor.u32 s3, s0;
	s1 =	sshll.u32 s1, $0x11  }
0xbb: {  	s0 =	sor.u32 s1, s0  }
0xbc: {  	s0 =	sadd.s32 $0x8F2B, s0  }
0xbd: {  	[sflag:s0] =	ssyncadd.remote.s32 $0x1  }
0xbe: {  	_ =	sfence.sel $0xFFFF  }
0xbf: {  	[dreg:$0x0] =	wrdreg $0xFFFFFFFF;
	(pc) =	sbr.abs _section_cstart, $3  }
0xc0: {  	[dreg:$0x1] =	wrdreg $0xFFFFFFFF  }
0xc1: {  	_ =	task.clear_ibuf [dreg:s6], $0x2FFFF;
	_ =	strace $0x9FFFFFFF  }
0xc2: {  	(tm) =	ssettm $0x7FFFFFFF  }
0xc3: {  	_ =	shalt  }
tec
execute0_lowered:
.L_overlay_start_1:
0x0: {  	(tag) =	ssettag $0x1  }
0x1: {  	s0 =	rddreg [dreg:$0x0]  }
0x2: {  	s1 =	rddreg [dreg:$0x1];
	s2 =	srdreg.scid;
	s3 =	simm.s32 $0x0  }
0x3: {  	s25 =	stileid.u32;
	s15 =	simm.s32 $0x2800;
	s16 =	simm.s32 $0x5  }
0x4: {  	s17 =	simm.s32 $0x1400;
	s18 =	simm.s32 $0x80;
	s19 =	simm.s32 $0x6800  }
0x5: {  	s20 =	simm.s32 $0x1;
	s21 =	simm.s32 $0x3;
	s22 =	simm.s32 $0x100  }
0x6: {  	s23 =	simm.s32 $0x2;
	s24 =	simm.s32 $0x1480;
	s28 =	simm.s32 $0x2700  }
0x7: {  	s29 =	simm.s32 $0x2780;
	s30 =	simm.s32 $0x0;
	s7 =	sand.u32 $0x1, s2  }
0x8: {  	[smem:$0x7FF] =	sst s3;
	s8 =	smul.u32 $0x14000, s25;
	s4 =	sadd.s32 $0x16600, s0  }
0x9: {  	s5 =	sadd.s32 $0xC600, s0;
	s9 =	smul.u32 $0x50000, s25;
	s10 =	sshll.u32 s25, $0x1  }
0xa: {  	s25 =	simm.s32 $0x4;
	s6 =	smul.u32 $0x140000, s7;
	s26 =	ssub.s32 $0x2, s7  }
0xb: {  	_ =	strace $0x8000004A;
	s10 =	sor.u32 s7, s10;
	s11 =	sshrl.u32 s26, $0x1  }
0xc: {  	s31 =	sshrl.u32 s9, $0x2;
	s8 =	sadd.s32 s8, s6;
	s6 =	sadd.s32 $0x2600, s0  }
0xd: {  	s11 =	ssub.s32 s26, s11;
	s7 =	sadd.s32 s31, s1;
	s26 =	simm.s32 $0x1380  }
0xe: {  	s8 =	sshrl.u32 s8, $0x3;
	s12 =	sadd.s32 $0x8000, s7;
	s13 =	sadd.s32 $0xC000, s7  }
0xf: {  	s14 =	sadd.s32 $0x10000, s7;
	s0 =	sadd.s32 s8, s0;
	s8 =	smul.u32 $0x2800, s10  }
0x10: {  	v0 =	vimm.f32 $0.0e+00;
	s10 =	smax.u32 s11, $0x1;
	s11 =	sadd.s32 $0x4000, s7;
	s9 =	sadd.s32 $0x3E600, s0  }
.LBB2_1:
0x11: {  	s31 =	simm.s32 $0x0;
	s0 =	simm.s32 $0x200  }
.LBB2_2:
0x12: {  	p0 =	sne.s32 s0, $0xFE00;
	[tilespmem:s31+$0x2870] =	vst v0  }
0x13: {  	[tilespmem:s31+$0x2800] =	vst v0  }
0x14: {  	[tilespmem:s31+$0x2810] =	vst v0  }
.Ltmp0:
0x15: {  	[tilespmem:s31+$0x2820] =	vst v0;
	(pc) =	sbr.rel @p0 .LBB2_2-.Ltmp0, $4  }
0x16: {  	[tilespmem:s31+$0x2830] =	vst v0  }
0x17: {  	[tilespmem:s31+$0x2840] =	vst v0  }
0x18: {  	[tilespmem:s31+$0x2850] =	vst v0  }
0x19: {  	[tilespmem:s31+$0x2860] =	vst v0;
	s31 =	sshra.s32 s0, $0x2;
	s0 =	sadd.s32 $0x200, s0  }
0x1a: {  	[tilespmem:s31+$0x2870] =	vst v0  }
0x1b: {  	[tilespmem:s31+$0x2800] =	vst v0  }
0x1c: {  	[tilespmem:s31+$0x2810] =	vst v0  }
0x1d: {  	[tilespmem:s31+$0x2820] =	vst v0  }
0x1e: {  	[tilespmem:s31+$0x2830] =	vst v0  }
0x1f: {  	[tilespmem:s31+$0x2840] =	vst v0  }
0x20: {  	[tilespmem:s31+$0x2850] =	vst v0  }
0x21: {  	[tilespmem:s31+$0x2860] =	vst v0  }
0x22: {  	[spmem:s7] =	stream.linear.scatter [tilespmem:s15], [sflag:$0x5], $0x4000, $0x38;
	[tilespmem:$0x1E800] =	vst v63  }
0x23: {  	_ =	swait.ge [sflag:s16], $0x4000  }
0x24: {  	[sflag:s16] =	ssyncset.done $0x0  }
0x25: {  	[sflag:s16] =	ssyncadd.s32 $0xFFFFC000  }
0x26: {  	[spmem:s11] =	stream.linear.scatter [tilespmem:s15], [sflag:$0x5], $0x4000, $0x38;
	[tilespmem:$0x1E800] =	vst v63  }
0x27: {  	_ =	swait.ge [sflag:s16], $0x4000  }
0x28: {  	[sflag:s16] =	ssyncset.done $0x0  }
0x29: {  	[sflag:s16] =	ssyncadd.s32 $0xFFFFC000  }
0x2a: {  	[spmem:s12] =	stream.linear.scatter [tilespmem:s15], [sflag:$0x5], $0x4000, $0x38;
	[tilespmem:$0x1E800] =	vst v63  }
0x2b: {  	_ =	swait.ge [sflag:s16], $0x4000  }
0x2c: {  	[sflag:s16] =	ssyncset.done $0x0  }
0x2d: {  	[sflag:s16] =	ssyncadd.s32 $0xFFFFC000  }
0x2e: {  	[spmem:s13] =	stream.linear.scatter [tilespmem:s15], [sflag:$0x5], $0x4000, $0x38;
	[tilespmem:$0x1E800] =	vst v63  }
0x2f: {  	_ =	swait.ge [sflag:s16], $0x4000  }
0x30: {  	[sflag:s16] =	ssyncset.done $0x0  }
0x31: {  	[sflag:s16] =	ssyncadd.s32 $0xFFFFC000  }
0x32: {  	[spmem:s14] =	stream.linear.scatter [tilespmem:s15], [sflag:$0x5], $0x4000, $0x38;
	[tilespmem:$0x1E800] =	vst v63  }
0x33: {  	_ =	swait.ge [sflag:s16], $0x4000  }
0x34: {  	[sflag:s16] =	ssyncset.done $0x0  }
0x35: {  	[sflag:s16] =	ssyncadd.s32 $0xFFFFC000  }
0x36: {  	s0 =	simm.s32 $0x0;
	p1 =	por $0x1, $0x1;
	[bflag:$0x0] =	sbarrier.arrive $0xFFFF  }
.LBB2_4:
0x37: {  	s0 =	sadd.s32 s8, s0  }
0x38: {  	s0 =	sshrl.u32 s0, $0x3  }
0x39: {  	s31 =	sadd.s32 s5, s0  }
0x3a: {  	[tilespmem:s3], [sflag:$0x5] =	stream.linear.gather [hbm4b:s31+s3], $0x1400, $0x38;
	[tilespmem:$0x1E800] =	vst v63  }
0x3b: {  	_ =	swait.ge [sflag:s16], $0x1400  }
0x3c: {  	[sflag:s16] =	ssyncset.done $0x0  }
0x3d: {  	s0 =	sadd.s32 s6, s0;
	[sflag:s16] =	ssyncadd.s32 $0xFFFFEC00  }
0x3e: {  	[tilespmem:s17], [sflag:$0x5] =	stream.linear.gather [hbm4b:s0+s3], $0x1400, $0x38;
	[tilespmem:$0x1E800] =	vst v63  }
0x3f: {  	_ =	swait.ge [sflag:s16], $0x1400  }
0x40: {  	[sflag:s16] =	ssyncset.done $0x0  }
0x41: {  	[sflag:s16] =	ssyncadd.s32 $0xFFFFEC00  }
0x42: {  	[tilespmem:s15], [sflag:$0x1] =	stream.indirect.gather [hbm4b:s4+s18], $0x80, s3, s18, $0xb8;
	[tilespmem:$0x1E800] =	vst v63  }
0x43: {  	_ = 	snop  }
0x44: {  	[tilespmem:s19], [sflag:$0x2] =	stream.indirect.gather [hbm4b:s4+s18], $0x80, s18, s18, $0xb8;
	[tilespmem:$0x1E800] =	vst v63  }
0x45: {  	_ =	swait.ge [sflag:s20], $0x4000  }
0x46: {  	[sflag:s20] =	ssyncset.done $0x0  }
0x47: {  	[sflag:s20] =	ssyncadd.s32 $0xFFFFC000  }
0x48: {  	[spmem:s1] =	stream.indirect.scatter.add.f32 [tilespmem:s15], [sflag:$0x3], $0x80, s17, s18, $0xb8;
	[tilespmem:$0x1E800] =	vst v63  }
0x49: {  	_ =	swait.ge [sflag:s21], $0x4000  }
0x4a: {  	[sflag:s21] =	ssyncset.done $0x0  }
0x4b: {  	[sflag:s21] =	ssyncadd.s32 $0xFFFFC000  }
0x4c: {  	[tilespmem:s15], [sflag:$0x1] =	stream.indirect.gather [hbm4b:s4+s18], $0x80, s22, s18, $0xb8;
	[tilespmem:$0x1E800] =	vst v63  }
0x4d: {  	_ =	swait.ge [sflag:s23], $0x4000  }
0x4e: {  	[sflag:s23] =	ssyncset.done $0x0  }
0x4f: {  	[sflag:s23] =	ssyncadd.s32 $0xFFFFC000  }
0x50: {  	[spmem:s1] =	stream.indirect.scatter.add.f32 [tilespmem:s19], [sflag:$0x4], $0x80, s24, s18, $0xb8;
	[tilespmem:$0x1E800] =	vst v63  }
0x51: {  	_ =	swait.ge [sflag:s25], $0x4000  }
0x52: {  	[sflag:s25] =	ssyncset.done $0x0  }
0x53: {  	s2 =	simm.s32 $0x180;
	[sflag:s25] =	ssyncadd.s32 $0xFFFFC000  }
0x54: {  	[tilespmem:s19], [sflag:$0x2] =	stream.indirect.gather [hbm4b:s4+s18], $0x80, s2, s18, $0xb8;
	[tilespmem:$0x1E800] =	vst v63  }
0x55: {  	_ =	swait.ge [sflag:s20], $0x4000  }
0x56: {  	[sflag:s20] =	ssyncset.done $0x0  }
0x57: {  	s2 =	simm.s32 $0x1500;
	[sflag:s20] =	ssyncadd.s32 $0xFFFFC000  }
0x58: {  	[spmem:s1] =	stream.indirect.scatter.add.f32 [tilespmem:s15], [sflag:$0x3], $0x80, s2, s18, $0xb8;
	[tilespmem:$0x1E800] =	vst v63  }
0x59: {  	_ =	swait.ge [sflag:s21], $0x4000  }
0x5a: {  	[sflag:s21] =	ssyncset.done $0x0  }
0x5b: {  	s2 =	simm.s32 $0x200;
	[sflag:s21] =	ssyncadd.s32 $0xFFFFC000  }
0x5c: {  	[tilespmem:s15], [sflag:$0x1] =	stream.indirect.gather [hbm4b:s4+s18], $0x80, s2, s18, $0xb8;
	[tilespmem:$0x1E800] =	vst v63  }
0x5d: {  	_ =	swait.ge [sflag:s23], $0x4000  }
0x5e: {  	p0 =	por p1, p1;
	[sflag:s23] =	ssyncset.done $0x0  }
0x5f: {  	s31 =	simm.s32 $0xFFFFBC00;
	s0 =	simm.s32 $0x1580;
	[sflag:s23] =	ssyncadd.s32 $0xFFFFC000  }
.LBB2_5:
0x60: {  	[spmem:s1] =	stream.indirect.scatter.add.f32 [tilespmem:s19], [sflag:$0x4], $0x80, s0, s18, $0xb8;
	[tilespmem:$0x1E800] =	vst v63  }
0x61: {  	s0 =	smov.u32 s31  }
0x62: {  	p1 =	sne.s32 s31, $0xFFFFFC00;
	s31 =	sadd.s32 $0x400, s31;
	_ =	swait.ge [sflag:s25], $0x4000  }
0x63: {  	s0 =	sshra.s32 s0, $0x2;
	[sflag:s25] =	ssyncset.done $0x0  }
0x64: {  	s2 =	sadd.s32 $0x1380, s0;
	[sflag:s25] =	ssyncadd.s32 $0xFFFFC000  }
0x65: {  	[tilespmem:s19], [sflag:$0x2] =	stream.indirect.gather [hbm4b:s4+s18], $0x80, s2, s18, $0xb8;
	[tilespmem:$0x1E800] =	vst v63  }
0x66: {  	_ =	swait.ge [sflag:s20], $0x4000  }
0x67: {  	[sflag:s20] =	ssyncset.done $0x0  }
0x68: {  	s2 =	sadd.s32 $0x2700, s0;
	[sflag:s20] =	ssyncadd.s32 $0xFFFFC000  }
0x69: {  	[spmem:s1] =	stream.indirect.scatter.add.f32 [tilespmem:s15], [sflag:$0x3], $0x80, s2, s18, $0xb8;
	[tilespmem:$0x1E800] =	vst v63  }
0x6a: {  	_ =	swait.ge [sflag:s21], $0x4000  }
0x6b: {  	[sflag:s21] =	ssyncset.done $0x0  }
.Ltmp1:
0x6c: {  	s2 =	sadd.s32 $0x1400, s0;
	[sflag:s21] =	ssyncadd.s32 $0xFFFFC000;
	(pc) =	sbr.rel @p1 .LBB2_5-.Ltmp1, $4  }
0x6d: {  	[tilespmem:s15], [sflag:$0x1] =	stream.indirect.gather [hbm4b:s4+s18], $0x80, s2, s18, $0xb8;
	[tilespmem:$0x1E800] =	vst v63  }
0x6e: {  	_ =	swait.ge [sflag:s23], $0x4000  }
0x6f: {  	[sflag:s23] =	ssyncset.done $0x0  }
0x70: {  	s0 =	sadd.s32 $0x2780, s0;
	[sflag:s23] =	ssyncadd.s32 $0xFFFFC000  }
0x71: {  	[spmem:s1] =	stream.indirect.scatter.add.f32 [tilespmem:s19], [sflag:$0x4], $0x80, s0, s18, $0xb8;
	[tilespmem:$0x1E800] =	vst v63  }
0x72: {  	_ =	swait.ge [sflag:s25], $0x4000  }
0x73: {  	[sflag:s25] =	ssyncset.done $0x0  }
0x74: {  	[sflag:s25] =	ssyncadd.s32 $0xFFFFC000  }
0x75: {  	[tilespmem:s19], [sflag:$0x2] =	stream.indirect.gather [hbm4b:s4+s18], $0x80, s26, s18, $0xb8;
	[tilespmem:$0x1E800] =	vst v63  }
0x76: {  	_ =	swait.ge [sflag:s20], $0x4000  }
0x77: {  	[sflag:s20] =	ssyncset.done $0x0  }
0x78: {  	[sflag:s20] =	ssyncadd.s32 $0xFFFFC000  }
0x79: {  	[spmem:s1] =	stream.indirect.scatter.add.f32 [tilespmem:s15], [sflag:$0x3], $0x80, s28, s18, $0xb8;
	[tilespmem:$0x1E800] =	vst v63  }
0x7a: {  	_ =	swait.ge [sflag:s21], $0x4000  }
0x7b: {  	[sflag:s21] =	ssyncset.done $0x0  }
0x7c: {  	[sflag:s21] =	ssyncadd.s32 $0xFFFFC000  }
0x7d: {  	_ =	swait.ge [sflag:s23], $0x4000  }
0x7e: {  	[sflag:s23] =	ssyncset.done $0x0  }
.Ltmp2:
0x7f: {  	[sflag:s23] =	ssyncadd.s32 $0xFFFFC000;
	(pc) =	sbr.rel @p0 .LBB2_4-.Ltmp2, $4  }
0x80: {  	[spmem:s1] =	stream.indirect.scatter.add.f32 [tilespmem:s19], [sflag:$0x4], $0x80, s29, s18, $0xb8;
	[tilespmem:$0x1E800] =	vst v63  }
0x81: {  	_ =	swait.ge [sflag:s25], $0x4000  }
0x82: {  	[sflag:s25] =	ssyncset.done $0x0  }
0x83: {  	s0 =	simm.s32 $0x1400;
	p1 =	por $0x0, $0x0;
	[sflag:s25] =	ssyncadd.s32 $0xFFFFC000  }
0x84: {  	s0 =	stileid.u32;
	s30 =	sadd.s32 $0x1, s30  }
0x85: {  	[bflag:$0x0] =	sbarrier.arrive $0xFFFF;
	s0 =	sshll.u32 s0, $0x6;
	p0 =	sne.s32 s30, s10  }
.Ltmp3:
0x86: {  	s2 =	sshrl.u32 s7, $0x3;
	s0 =	sor.u32 $0x1C05, s0;
	(pc) =	sbr.rel @p0 .LBB2_1-.Ltmp3, $4  }
0x87: {  	[hbm:s9], [sflag:s0] =	dma.local [spmem:s2], $0x2800  }
0x88: {  	_ =	swait.ge [sflag:s16], $0x2800  }
0x89: {  	[sflag:s16] =	ssyncset.done $0x0  }
0x8a: {  	[sflag:s16] =	ssyncadd.s32 $0xFFFFD800  }
0x8b: {  	_ =	sfence.sel $0x180000  }
0x8c: {  	[bflag:$0x0] =	sbarrier.arrive $0xFFFF  }
0x8d: {  	_ =	strace $0x9000004A  }
0x8e: {  	s0 =	stileid.u32;
	[bflag:$0x2] =	sbarrier.arrive $0xFFFF  }
0x8f: {  	p0 =	sne.s32 s0, $0x0;
	s0 =	rddreg [dreg:$0x2]  }
0x90: {  	s0 =	sadd.s32 @!p0 $0x100000, s0  }
0x91: {  	[sflag:s0] =	ssyncadd.tile.s32 @!p0 $0x1;
	_ =	shalt  }
.Lfunc_end2:
_tile_overlayer_lowered:
.L_overlay_start_2:
0x92: {  	(tag) =	ssettag $0x2  }
0x93: {  	s0 =	rddreg [dreg:$0x0];
	s2 =	stileid.u32  }
0x94: {  	s1 =	rddreg [dreg:$0x1];
	p0 =	sne.s32 s2, $0x0  }
0x95: {  	s3 =	rddreg [dreg:$0x2];
	[bflag:$0x3] =	sbarrier.arrive $0xFFFF;
	s2 =	simm.s32 @!p0 $0x1C05  }
0x96: {  	[timem:s3], [sflag:s2] =	dma.local @!p0 [hbm:s0], s1  }
0x97: {  	s0 =	simm.s32 @!p0 $0x5  }
0x98: {  	_ =	swait.ge @!p0 [sflag:s0], s1  }
0x99: {  	s1 =	ssub.s32 @!p0 $0x0, s1;
	[sflag:s0] =	ssyncset.done @!p0 $0x0  }
0x9a: {  	[sflag:s0] =	ssyncadd.s32 @!p0 s1  }
0x9b: {  	[bflag:$0x3] =	sbarrier.arrive $0xFFFF  }
0x9c: {  	_ =	shalt  }

</sc_bundles>
